<compile_context>
chip_gen: v7x
topology: tpu7x:2x2x1
jax: 0.10.2.dev20260603
libtpu: 0.0.44.dev20260713+nightly
codegen_flags: <defaults>
</compile_context>

<pallas_src>
import functools

import jax
import jax.numpy as jnp
from jax import lax
from jax.experimental import pallas as pl
from jax.experimental.pallas import tpu as pltpu
from jax.experimental.pallas import tpu_sc as plsc

_LANES = 16


def kernel(x, emb_table, pos_table):
    B, L = x.shape
    H = emb_table.shape[1]
    N = B * L
    NP = N // 2
    LP = L * L
    H2 = 2 * H

    info = plsc.get_sparse_core_info()
    NC, NS = info.num_cores, info.num_subcores
    NW = NC * NS
    C = 128
    K = 2
    per_w = NP // NW
    G = per_w // C
    rows_per_tile = LP // NS
    BCH = 125
    n_bch = rows_per_tile // BCH
    assert per_w * NW == NP and G * C == per_w and G % K == 0
    assert rows_per_tile * NS == LP and n_bch * BCH == rows_per_tile

    x1 = x.reshape(N)
    emb_s = lax.slice(emb_table, (0, 0), (L, H))

    mesh = plsc.VectorSubcoreMesh(core_axis_name="c", subcore_axis_name="s")

    @functools.partial(
        pl.kernel,
        mesh=mesh,
        compiler_params=pltpu.CompilerParams(
            use_tc_tiling_on_sc=False, needs_layout_passes=False
        ),
        out_type=jax.ShapeDtypeStruct((NP, H2), jnp.float32),
        scratch_types=[
            pltpu.HBM((NC * LP, H2), jnp.float32),
            pltpu.VMEM((L, H), jnp.float32),
            pltpu.VMEM((L, H), jnp.float32),
            pltpu.VMEM((per_w * 2,), jnp.int32),
            pltpu.VMEM((per_w,), jnp.int32),
            pltpu.VMEM((K, C, H2), jnp.float32),
            pltpu.SemaphoreType.DMA,
            pltpu.SemaphoreType.DMA,
        ],
    )
    def emb_lookup(x_hbm, emb_hbm, pos_hbm, out_hbm, pair_hbm,
                   emb_v, comb_v, idx_v, pidx_v, rows_v, gsem, wsem):
        cid = lax.axis_index("c")
        sid = lax.axis_index("s")
        wid = sid * NC + cid

        pltpu.sync_copy(emb_hbm, emb_v)
        pltpu.sync_copy(pos_hbm, comb_v)

        def add_row(r, carry):
            for cg in range(H // _LANES):
                sl = pl.ds(cg * _LANES, _LANES)
                comb_v[r, sl] = comb_v[r, sl] + emb_v[r, sl]
            return carry

        lax.fori_loop(0, L, add_row, 0)

        tile_row0 = cid * LP + sid * rows_per_tile

        def build_chunk(c, carry):
            def build_row(r, carry2):
                sr = sid * rows_per_tile + c * BCH + r
                a = sr // L
                b = sr - a * L
                for cg in range(H // _LANES):
                    sl = pl.ds(cg * _LANES, _LANES)
                    rows_v[0, r, sl] = comb_v[a, sl]
                    sl2 = pl.ds(H + cg * _LANES, _LANES)
                    rows_v[0, r, sl2] = comb_v[b, sl]
                return carry2

            lax.fori_loop(0, BCH, build_row, 0)
            pltpu.sync_copy(
                rows_v.at[0].at[pl.ds(0, BCH)],
                pair_hbm.at[pl.ds(tile_row0 + c * BCH, BCH)],
            )
            return carry

        lax.fori_loop(0, n_bch, build_chunk, 0)

        pltpu.sync_copy(x_hbm.at[pl.ds(wid * per_w * 2, per_w * 2)], idx_v)
        lanes2 = lax.iota(jnp.int32, _LANES) * 2
        pbase = cid * LP

        def pair_group(j, carry):
            base = j * (2 * _LANES)
            ev = plsc.load_gather(idx_v, [lanes2 + base])
            od = plsc.load_gather(idx_v, [lanes2 + (base + 1)])
            pidx_v[pl.ds(j * _LANES, _LANES)] = ev * L + od + pbase
            return carry

        lax.fori_loop(0, per_w // _LANES, pair_group, 0)

        plsc.subcore_barrier()

        def wave(w, carry):
            g0 = w * K
            gd = [
                pltpu.async_copy(
                    pair_hbm.at[pidx_v.at[pl.ds((g0 + k) * C, C)]],
                    rows_v.at[k],
                    gsem,
                )
                for k in range(K)
            ]
            for d in gd:
                d.wait()
            wd = [
                pltpu.async_copy(
                    rows_v.at[k],
                    out_hbm.at[pl.ds(wid * per_w + (g0 + k) * C, C)],
                    wsem,
                )
                for k in range(K)
            ]
            for d in wd:
                d.wait()
            return carry

        lax.fori_loop(0, G // K, wave, 0)

    out = emb_lookup(x1, emb_s, pos_table)
    return out.reshape(B, L, H)

# --- scband reference (transcript-rebuilt; emitter-appended) ---
"""Pipeline reference for scband-token-embedding-78305843741275 (READ-ONLY COPY).

The authoritative reference and input builder live on the scoring server;
editing this copy changes nothing except your own understanding.
"""

import jax, jax.numpy as jnp
import numpy as np

NUM_VOCAB = 1000000
NUM_HID = 64
B = 4096
L = 200  # maxlen; positional table has L rows


def setup_inputs(seed: int = 0) -> dict:
    key = jax.random.key(seed)
    k1, k2, k3 = jax.random.split(key, 3)
    # Index values must be valid for BOTH tables: the original module indexes
    # the positional table (size maxlen=L) with x, so values are in [0, L).
    x = jax.random.randint(k1, (B, L), 0, L, dtype=jnp.int32)
    emb_table = jax.random.normal(k2, (NUM_VOCAB, NUM_HID), dtype=jnp.float32)
    pos_table = jax.random.normal(k3, (L, NUM_HID), dtype=jnp.float32)
    return {"x": x, "emb_table": emb_table, "pos_table": pos_table}


def reference(x, emb_table, pos_table):
    # Faithful to the torch forward: token embedding lookup plus a
    # 'positional' embedding table that is (per the original code) also
    # indexed by x, where the positional table has maxlen rows.
    emb = jnp.take(emb_table, x, axis=0)
    pos_emb = jnp.take(pos_table, x, axis=0)
    return emb + pos_emb

if __name__ == "__main__":
    import jax
    _d = setup_inputs()
    print(jax.jit(kernel)(*tuple(_d.values())))

</pallas_src>

<mosaic_0001>
#map = affine_map<(d0, d1) -> (0)>
#map1 = affine_map<(d0, d1) -> (0, 0)>
module attributes {stable_mosaic.version = 14 : i64} {
  func.func @emb_lookup(%arg0: i32, %arg1: i32, %arg2: memref<819200xi32, #tpu.memory_space<hbm>>, %arg3: memref<200x64xf32, #tpu.memory_space<hbm>>, %arg4: memref<200x64xf32, #tpu.memory_space<hbm>>, %arg5: memref<409600x128xf32, #tpu.memory_space<hbm>>, %arg6: memref<80000x128xf32, #tpu.memory_space<hbm>>, %arg7: memref<200x64xf32, #tpu.memory_space<vmem>>, %arg8: memref<200x64xf32, #tpu.memory_space<vmem>>, %arg9: memref<25600xi32, #tpu.memory_space<vmem>>, %arg10: memref<12800xi32, #tpu.memory_space<vmem>>, %arg11: memref<2x128x128xf32, #tpu.memory_space<vmem>>, %arg12: memref<!tpu.dma_semaphore, #tpu.memory_space<semaphore_mem>>, %arg13: memref<!tpu.dma_semaphore, #tpu.memory_space<semaphore_mem>>) attributes {dimension_semantics = [#tpu.dimension_semantics<core_parallel>, #tpu.dimension_semantics<subcore_parallel>], iteration_bounds = array<i64: 2, 16>, scalar_prefetch = 0 : i64, scratch_operands = 8 : i64, tpu.core_type = #tpu.core_type<sc_vector_subcore>, window_params = [{transform_indices = #map}, {transform_indices = #map1}, {transform_indices = #map1}, {transform_indices = #map1}]} {
    %mul3A = arith.constant 2 : i32
    %mul3A_0 = arith.muli %arg1, %mul3A : i32
    %add3A = arith.addi %mul3A_0, %arg0 : i32
    "tpu.region"() ({
      %run_scoped3A = tpu.sem_alloc : memref<!tpu.dma_semaphore, #tpu.memory_space<semaphore_mem>>
      tpu.enqueue_dma source(%arg3 : memref<200x64xf32, #tpu.memory_space<hbm>>) target(%arg7 : memref<200x64xf32, #tpu.memory_space<vmem>>) target_semaphore(%run_scoped3A : memref<!tpu.dma_semaphore, #tpu.memory_space<semaphore_mem>>)
      tpu.wait_dma2 semaphore(%run_scoped3A : memref<!tpu.dma_semaphore, #tpu.memory_space<semaphore_mem>>) src(%arg3 : memref<200x64xf32, #tpu.memory_space<hbm>>) dst(%arg7 : memref<200x64xf32, #tpu.memory_space<vmem>>)
      tpu.yield
    }) : () -> ()
    "tpu.region"() ({
      %run_scoped3A = tpu.sem_alloc : memref<!tpu.dma_semaphore, #tpu.memory_space<semaphore_mem>>
      tpu.enqueue_dma source(%arg4 : memref<200x64xf32, #tpu.memory_space<hbm>>) target(%arg8 : memref<200x64xf32, #tpu.memory_space<vmem>>) target_semaphore(%run_scoped3A : memref<!tpu.dma_semaphore, #tpu.memory_space<semaphore_mem>>)
      tpu.wait_dma2 semaphore(%run_scoped3A : memref<!tpu.dma_semaphore, #tpu.memory_space<semaphore_mem>>) src(%arg4 : memref<200x64xf32, #tpu.memory_space<hbm>>) dst(%arg8 : memref<200x64xf32, #tpu.memory_space<vmem>>)
      tpu.yield
    }) : () -> ()
    %scan3A = arith.constant 0 : i32
    %scan3A_1 = arith.constant 0 : i32
    %scan3A_2 = arith.constant 200 : i32
    %scan3A_3 = arith.addi %scan3A_1, %scan3A_2 : i32
    %scan3A_4 = arith.constant 1 : i32
    scf.for %scan3A_38 = %scan3A_1 to %scan3A_3 step %scan3A_4  : i32 {
      %get3A = arith.index_cast %scan3A_38 : i32 to index
      %get3A_39 = arith.constant 0 : index
      %get3A_40 = tpu.vector_load %arg8[%get3A, %get3A_39] {strides = array<i32>} : memref<200x64xf32, #tpu.memory_space<vmem>>, vector<16xf32>,
      %get3A_41 = arith.index_cast %scan3A_38 : i32 to index
      %get3A_42 = arith.constant 0 : index
      %get3A_43 = tpu.vector_load %arg7[%get3A_41, %get3A_42] {strides = array<i32>} : memref<200x64xf32, #tpu.memory_space<vmem>>, vector<16xf32>,
      %add3A_44 = arith.addf %get3A_40, %get3A_43 : vector<16xf32>
      %swap3A = arith.index_cast %scan3A_38 : i32 to index
      %swap3A_45 = arith.constant 0 : index
      %swap3A_46 = tpu.vector_load %arg8[%swap3A, %swap3A_45] {strides = array<i32>} : memref<200x64xf32, #tpu.memory_space<vmem>>, vector<16xf32>,
      tpu.vector_store %arg8[%swap3A, %swap3A_45], %add3A_44 {strides = array<i32>} : memref<200x64xf32, #tpu.memory_space<vmem>>, vector<16xf32>,
      %get3A_47 = arith.index_cast %scan3A_38 : i32 to index
      %get3A_48 = arith.constant 16 : index
      %get3A_49 = tpu.vector_load %arg8[%get3A_47, %get3A_48] {strides = array<i32>} : memref<200x64xf32, #tpu.memory_space<vmem>>, vector<16xf32>,
      %get3A_50 = arith.index_cast %scan3A_38 : i32 to index
      %get3A_51 = arith.constant 16 : index
      %get3A_52 = tpu.vector_load %arg7[%get3A_50, %get3A_51] {strides = array<i32>} : memref<200x64xf32, #tpu.memory_space<vmem>>, vector<16xf32>,
      %add3A_53 = arith.addf %get3A_49, %get3A_52 : vector<16xf32>
      %swap3A_54 = arith.index_cast %scan3A_38 : i32 to index
      %swap3A_55 = arith.constant 16 : index
      %swap3A_56 = tpu.vector_load %arg8[%swap3A_54, %swap3A_55] {strides = array<i32>} : memref<200x64xf32, #tpu.memory_space<vmem>>, vector<16xf32>,
      tpu.vector_store %arg8[%swap3A_54, %swap3A_55], %add3A_53 {strides = array<i32>} : memref<200x64xf32, #tpu.memory_space<vmem>>, vector<16xf32>,
      %get3A_57 = arith.index_cast %scan3A_38 : i32 to index
      %get3A_58 = arith.constant 32 : index
      %get3A_59 = tpu.vector_load %arg8[%get3A_57, %get3A_58] {strides = array<i32>} : memref<200x64xf32, #tpu.memory_space<vmem>>, vector<16xf32>,
      %get3A_60 = arith.index_cast %scan3A_38 : i32 to index
      %get3A_61 = arith.constant 32 : index
      %get3A_62 = tpu.vector_load %arg7[%get3A_60, %get3A_61] {strides = array<i32>} : memref<200x64xf32, #tpu.memory_space<vmem>>, vector<16xf32>,
      %add3A_63 = arith.addf %get3A_59, %get3A_62 : vector<16xf32>
      %swap3A_64 = arith.index_cast %scan3A_38 : i32 to index
      %swap3A_65 = arith.constant 32 : index
      %swap3A_66 = tpu.vector_load %arg8[%swap3A_64, %swap3A_65] {strides = array<i32>} : memref<200x64xf32, #tpu.memory_space<vmem>>, vector<16xf32>,
      tpu.vector_store %arg8[%swap3A_64, %swap3A_65], %add3A_63 {strides = array<i32>} : memref<200x64xf32, #tpu.memory_space<vmem>>, vector<16xf32>,
      %get3A_67 = arith.index_cast %scan3A_38 : i32 to index
      %get3A_68 = arith.constant 48 : index
      %get3A_69 = tpu.vector_load %arg8[%get3A_67, %get3A_68] {strides = array<i32>} : memref<200x64xf32, #tpu.memory_space<vmem>>, vector<16xf32>,
      %get3A_70 = arith.index_cast %scan3A_38 : i32 to index
      %get3A_71 = arith.constant 48 : index
      %get3A_72 = tpu.vector_load %arg7[%get3A_70, %get3A_71] {strides = array<i32>} : memref<200x64xf32, #tpu.memory_space<vmem>>, vector<16xf32>,
      %add3A_73 = arith.addf %get3A_69, %get3A_72 : vector<16xf32>
      %swap3A_74 = arith.index_cast %scan3A_38 : i32 to index
      %swap3A_75 = arith.constant 48 : index
      %swap3A_76 = tpu.vector_load %arg8[%swap3A_74, %swap3A_75] {strides = array<i32>} : memref<200x64xf32, #tpu.memory_space<vmem>>, vector<16xf32>,
      tpu.vector_store %arg8[%swap3A_74, %swap3A_75], %add3A_73 {strides = array<i32>} : memref<200x64xf32, #tpu.memory_space<vmem>>, vector<16xf32>,
    }
    %scan3A_5 = arith.constant 200 : i32
    %mul3A_6 = arith.constant 40000 : i32
    %mul3A_7 = arith.muli %arg0, %mul3A_6 : i32
    %mul3A_8 = arith.constant 2500 : i32
    %mul3A_9 = arith.muli %arg1, %mul3A_8 : i32
    %add3A_10 = arith.addi %mul3A_7, %mul3A_9 : i32
    %scan3A_11 = arith.constant 0 : i32
    %scan3A_12 = arith.constant 0 : i32
    %scan3A_13 = arith.constant 20 : i32
    %scan3A_14 = arith.addi %scan3A_12, %scan3A_13 : i32
    %scan3A_15 = arith.constant 1 : i32
    scf.for %scan3A_38 = %scan3A_12 to %scan3A_14 step %scan3A_15  : i32 {
      %scan3A_39 = arith.constant 0 : i32
      %scan3A_40 = arith.constant 0 : i32
      %scan3A_41 = arith.constant 125 : i32
      %scan3A_42 = arith.addi %scan3A_40, %scan3A_41 : i32
      %scan3A_43 = arith.constant 1 : i32
      scf.for %scan3A_48 = %scan3A_40 to %scan3A_42 step %scan3A_43  : i32 {
        %mul3A_49 = arith.constant 2500 : i32
        %mul3A_50 = arith.muli %arg1, %mul3A_49 : i32
        %mul3A_51 = arith.constant 125 : i32
        %mul3A_52 = arith.muli %scan3A_38, %mul3A_51 : i32
        %add3A_53 = arith.addi %mul3A_50, %mul3A_52 : i32
        %add3A_54 = arith.addi %add3A_53, %scan3A_48 : i32
        %jit3A = arith.constant 200 : i32
        %div3A = arith.divsi %add3A_54, %jit3A : i32
        %sign3A = arith.constant 0 : i32
        %sign3A_55 = arith.cmpi sgt, %add3A_54, %sign3A : i32
        %sign3A_56 = arith.extui %sign3A_55 : i1 to i32
        %sign3A_57 = arith.constant 0 : i32
        %sign3A_58 = arith.cmpi slt, %add3A_54, %sign3A_57 : i32
        %sign3A_59 = arith.extui %sign3A_58 : i1 to i32
        %sign3A_60 = arith.subi %sign3A_56, %sign3A_59 : i32
        %sign3A_61 = arith.constant 0 : i32
        %sign3A_62 = arith.cmpi sgt, %jit3A, %sign3A_61 : i32
        %sign3A_63 = arith.extui %sign3A_62 : i1 to i32
        %sign3A_64 = arith.constant 0 : i32
        %sign3A_65 = arith.cmpi slt, %jit3A, %sign3A_64 : i32
        %sign3A_66 = arith.extui %sign3A_65 : i1 to i32
        %sign3A_67 = arith.subi %sign3A_63, %sign3A_66 : i32
        %ne3A = arith.cmpi ne, %sign3A_60, %sign3A_67 : i32
        %rem3A = arith.remsi %add3A_54, %jit3A : i32
        %ne3A_68 = arith.constant 0 : i32
        %ne3A_69 = arith.cmpi ne, %rem3A, %ne3A_68 : i32
        %and3A = arith.andi %ne3A, %ne3A_69 : i1
        %sub3A = arith.constant 1 : i32
        %sub3A_70 = arith.subi %div3A, %sub3A : i32
        %select_n3A = arith.select %and3A, %sub3A_70, %div3A : i32
        %mul3A_71 = arith.constant 200 : i32
        %mul3A_72 = arith.muli %select_n3A, %mul3A_71 : i32
        %sub3A_73 = arith.subi %add3A_54, %mul3A_72 : i32
        %get3A = arith.index_cast %select_n3A : i32 to index
        %get3A_74 = arith.constant 0 : index
        %get3A_75 = tpu.vector_load %arg8[%get3A, %get3A_74] {strides = array<i32>} : memref<200x64xf32, #tpu.memory_space<vmem>>, vector<16xf32>,
        %swap3A = arith.constant 0 : i32
        %swap3A_76 = arith.index_cast %swap3A : i32 to index
        %swap3A_77 = arith.index_cast %scan3A_48 : i32 to index
        %swap3A_78 = arith.constant 0 : index
        %swap3A_79 = tpu.vector_load %arg11[%swap3A_76, %swap3A_77, %swap3A_78] {strides = array<i32>} : memref<2x128x128xf32, #tpu.memory_space<vmem>>, vector<16xf32>,
        tpu.vector_store %arg11[%swap3A_76, %swap3A_77, %swap3A_78], %get3A_75 {strides = array<i32>} : memref<2x128x128xf32, #tpu.memory_space<vmem>>, vector<16xf32>,
        %get3A_80 = arith.index_cast %sub3A_73 : i32 to index
        %get3A_81 = arith.constant 0 : index
        %get3A_82 = tpu.vector_load %arg8[%get3A_80, %get3A_81] {strides = array<i32>} : memref<200x64xf32, #tpu.memory_space<vmem>>, vector<16xf32>,
        %swap3A_83 = arith.constant 0 : i32
        %swap3A_84 = arith.index_cast %swap3A_83 : i32 to index
        %swap3A_85 = arith.index_cast %scan3A_48 : i32 to index
        %swap3A_86 = arith.constant 64 : index
        %swap3A_87 = tpu.vector_load %arg11[%swap3A_84, %swap3A_85, %swap3A_86] {strides = array<i32>} : memref<2x128x128xf32, #tpu.memory_space<vmem>>, vector<16xf32>,
        tpu.vector_store %arg11[%swap3A_84, %swap3A_85, %swap3A_86], %get3A_82 {strides = array<i32>} : memref<2x128x128xf32, #tpu.memory_space<vmem>>, vector<16xf32>,
        %get3A_88 = arith.index_cast %select_n3A : i32 to index
        %get3A_89 = arith.constant 16 : index
        %get3A_90 = tpu.vector_load %arg8[%get3A_88, %get3A_89] {strides = array<i32>} : memref<200x64xf32, #tpu.memory_space<vmem>>, vector<16xf32>,
        %swap3A_91 = arith.constant 0 : i32
        %swap3A_92 = arith.index_cast %swap3A_91 : i32 to index
        %swap3A_93 = arith.index_cast %scan3A_48 : i32 to index
        %swap3A_94 = arith.constant 16 : index
        %swap3A_95 = tpu.vector_load %arg11[%swap3A_92, %swap3A_93, %swap3A_94] {strides = array<i32>} : memref<2x128x128xf32, #tpu.memory_space<vmem>>, vector<16xf32>,
        tpu.vector_store %arg11[%swap3A_92, %swap3A_93, %swap3A_94], %get3A_90 {strides = array<i32>} : memref<2x128x128xf32, #tpu.memory_space<vmem>>, vector<16xf32>,
        %get3A_96 = arith.index_cast %sub3A_73 : i32 to index
        %get3A_97 = arith.constant 16 : index
        %get3A_98 = tpu.vector_load %arg8[%get3A_96, %get3A_97] {strides = array<i32>} : memref<200x64xf32, #tpu.memory_space<vmem>>, vector<16xf32>,
        %swap3A_99 = arith.constant 0 : i32
        %swap3A_100 = arith.index_cast %swap3A_99 : i32 to index
        %swap3A_101 = arith.index_cast %scan3A_48 : i32 to index
        %swap3A_102 = arith.constant 80 : index
        %swap3A_103 = tpu.vector_load %arg11[%swap3A_100, %swap3A_101, %swap3A_102] {strides = array<i32>} : memref<2x128x128xf32, #tpu.memory_space<vmem>>, vector<16xf32>,
        tpu.vector_store %arg11[%swap3A_100, %swap3A_101, %swap3A_102], %get3A_98 {strides = array<i32>} : memref<2x128x128xf32, #tpu.memory_space<vmem>>, vector<16xf32>,
        %get3A_104 = arith.index_cast %select_n3A : i32 to index
        %get3A_105 = arith.constant 32 : index
        %get3A_106 = tpu.vector_load %arg8[%get3A_104, %get3A_105] {strides = array<i32>} : memref<200x64xf32, #tpu.memory_space<vmem>>, vector<16xf32>,
        %swap3A_107 = arith.constant 0 : i32
        %swap3A_108 = arith.index_cast %swap3A_107 : i32 to index
        %swap3A_109 = arith.index_cast %scan3A_48 : i32 to index
        %swap3A_110 = arith.constant 32 : index
        %swap3A_111 = tpu.vector_load %arg11[%swap3A_108, %swap3A_109, %swap3A_110] {strides = array<i32>} : memref<2x128x128xf32, #tpu.memory_space<vmem>>, vector<16xf32>,
        tpu.vector_store %arg11[%swap3A_108, %swap3A_109, %swap3A_110], %get3A_106 {strides = array<i32>} : memref<2x128x128xf32, #tpu.memory_space<vmem>>, vector<16xf32>,
        %get3A_112 = arith.index_cast %sub3A_73 : i32 to index
        %get3A_113 = arith.constant 32 : index
        %get3A_114 = tpu.vector_load %arg8[%get3A_112, %get3A_113] {strides = array<i32>} : memref<200x64xf32, #tpu.memory_space<vmem>>, vector<16xf32>,
        %swap3A_115 = arith.constant 0 : i32
        %swap3A_116 = arith.index_cast %swap3A_115 : i32 to index
        %swap3A_117 = arith.index_cast %scan3A_48 : i32 to index
        %swap3A_118 = arith.constant 96 : index
        %swap3A_119 = tpu.vector_load %arg11[%swap3A_116, %swap3A_117, %swap3A_118] {strides = array<i32>} : memref<2x128x128xf32, #tpu.memory_space<vmem>>, vector<16xf32>,
        tpu.vector_store %arg11[%swap3A_116, %swap3A_117, %swap3A_118], %get3A_114 {strides = array<i32>} : memref<2x128x128xf32, #tpu.memory_space<vmem>>, vector<16xf32>,
        %get3A_120 = arith.index_cast %select_n3A : i32 to index
        %get3A_121 = arith.constant 48 : index
        %get3A_122 = tpu.vector_load %arg8[%get3A_120, %get3A_121] {strides = array<i32>} : memref<200x64xf32, #tpu.memory_space<vmem>>, vector<16xf32>,
        %swap3A_123 = arith.constant 0 : i32
        %swap3A_124 = arith.index_cast %swap3A_123 : i32 to index
        %swap3A_125 = arith.index_cast %scan3A_48 : i32 to index
        %swap3A_126 = arith.constant 48 : index
        %swap3A_127 = tpu.vector_load %arg11[%swap3A_124, %swap3A_125, %swap3A_126] {strides = array<i32>} : memref<2x128x128xf32, #tpu.memory_space<vmem>>, vector<16xf32>,
        tpu.vector_store %arg11[%swap3A_124, %swap3A_125, %swap3A_126], %get3A_122 {strides = array<i32>} : memref<2x128x128xf32, #tpu.memory_space<vmem>>, vector<16xf32>,
        %get3A_128 = arith.index_cast %sub3A_73 : i32 to index
        %get3A_129 = arith.constant 48 : index
        %get3A_130 = tpu.vector_load %arg8[%get3A_128, %get3A_129] {strides = array<i32>} : memref<200x64xf32, #tpu.memory_space<vmem>>, vector<16xf32>,
        %swap3A_131 = arith.constant 0 : i32
        %swap3A_132 = arith.index_cast %swap3A_131 : i32 to index
        %swap3A_133 = arith.index_cast %scan3A_48 : i32 to index
        %swap3A_134 = arith.constant 112 : index
        %swap3A_135 = tpu.vector_load %arg11[%swap3A_132, %swap3A_133, %swap3A_134] {strides = array<i32>} : memref<2x128x128xf32, #tpu.memory_space<vmem>>, vector<16xf32>,
        tpu.vector_store %arg11[%swap3A_132, %swap3A_133, %swap3A_134], %get3A_130 {strides = array<i32>} : memref<2x128x128xf32, #tpu.memory_space<vmem>>, vector<16xf32>,
      }
      %scan3A_44 = arith.constant 125 : i32
      %mul3A_45 = arith.constant 125 : i32
      %mul3A_46 = arith.muli %scan3A_38, %mul3A_45 : i32
      %add3A_47 = arith.addi %add3A_10, %mul3A_46 : i32
      %run_scoped3A = arith.constant 0 : i32
      "tpu.region"() ({
        %run_scoped3A_48 = tpu.sem_alloc : memref<!tpu.dma_semaphore, #tpu.memory_space<semaphore_mem>>
        %dma_start3A = arith.constant 0 : i32
        %dma_start3A_49 = arith.constant 0 : i32
        %dma_start3A_50 = tpu.memref_slice %arg11[%run_scoped3A, %dma_start3A, %dma_start3A_49] : memref<2x128x128xf32, #tpu.memory_space<vmem>> -> memref<1x128x128xf32, #tpu.memory_space<vmem>>
        %dma_start3A_51 = tpu.memref_squeeze %dma_start3A_50 : memref<1x128x128xf32, #tpu.memory_space<vmem>> -> memref<128x128xf32, #tpu.memory_space<vmem>>
        %dma_start3A_52 = arith.constant 0 : i32
        %dma_start3A_53 = arith.constant 0 : i32
        %dma_start3A_54 = tpu.memref_slice %dma_start3A_51[%dma_start3A_52, %dma_start3A_53] : memref<128x128xf32, #tpu.memory_space<vmem>> -> memref<125x128xf32, #tpu.memory_space<vmem>>
        %dma_start3A_55 = arith.constant 0 : i32
        %dma_start3A_56 = tpu.memref_slice %arg6[%add3A_47, %dma_start3A_55] : memref<80000x128xf32, #tpu.memory_space<hbm>> -> memref<125x128xf32, #tpu.memory_space<hbm>>
        %dma_start3A_57 = arith.constant 0 : i32
        %dma_start3A_58 = tpu.memref_slice %arg6[%add3A_47, %dma_start3A_57] : memref<80000x128xf32, #tpu.memory_space<hbm>> -> memref<125x128xf32, #tpu.memory_space<hbm>>
        %dma_start3A_59 = arith.constant 0 : i32
        %dma_start3A_60 = arith.constant 0 : i32
        %dma_start3A_61 = tpu.memref_slice %arg11[%run_scoped3A, %dma_start3A_59, %dma_start3A_60] : memref<2x128x128xf32, #tpu.memory_space<vmem>> -> memref<1x128x128xf32, #tpu.memory_space<vmem>>
        %dma_start3A_62 = tpu.memref_squeeze %dma_start3A_61 : memref<1x128x128xf32, #tpu.memory_space<vmem>> -> memref<128x128xf32, #tpu.memory_space<vmem>>
        %dma_start3A_63 = arith.constant 0 : i32
        %dma_start3A_64 = arith.constant 0 : i32
        %dma_start3A_65 = tpu.memref_slice %dma_start3A_62[%dma_start3A_63, %dma_start3A_64] : memref<128x128xf32, #tpu.memory_space<vmem>> -> memref<125x128xf32, #tpu.memory_space<vmem>>
        tpu.enqueue_dma source(%dma_start3A_65 : memref<125x128xf32, #tpu.memory_space<vmem>>) target(%dma_start3A_58 : memref<125x128xf32, #tpu.memory_space<hbm>>) target_semaphore(%run_scoped3A_48 : memref<!tpu.dma_semaphore, #tpu.memory_space<semaphore_mem>>)
        %dma_wait3A = arith.constant 0 : i32
        %dma_wait3A_66 = arith.constant 0 : i32
        %dma_wait3A_67 = tpu.memref_slice %arg11[%run_scoped3A, %dma_wait3A, %dma_wait3A_66] : memref<2x128x128xf32, #tpu.memory_space<vmem>> -> memref<1x128x128xf32, #tpu.memory_space<vmem>>
        %dma_wait3A_68 = tpu.memref_squeeze %dma_wait3A_67 : memref<1x128x128xf32, #tpu.memory_space<vmem>> -> memref<128x128xf32, #tpu.memory_space<vmem>>
        %dma_wait3A_69 = arith.constant 0 : i32
        %dma_wait3A_70 = arith.constant 0 : i32
        %dma_wait3A_71 = tpu.memref_slice %dma_wait3A_68[%dma_wait3A_69, %dma_wait3A_70] : memref<128x128xf32, #tpu.memory_space<vmem>> -> memref<125x128xf32, #tpu.memory_space<vmem>>
        %dma_wait3A_72 = arith.constant 0 : i32
        %dma_wait3A_73 = tpu.memref_slice %arg6[%add3A_47, %dma_wait3A_72] : memref<80000x128xf32, #tpu.memory_space<hbm>> -> memref<125x128xf32, #tpu.memory_space<hbm>>
        %dma_wait3A_74 = arith.constant 0 : i32
        %dma_wait3A_75 = tpu.memref_slice %arg6[%add3A_47, %dma_wait3A_74] : memref<80000x128xf32, #tpu.memory_space<hbm>> -> memref<125x128xf32, #tpu.memory_space<hbm>>
        %dma_wait3A_76 = arith.constant 0 : i32
        %dma_wait3A_77 = arith.constant 0 : i32
        %dma_wait3A_78 = tpu.memref_slice %arg11[%run_scoped3A, %dma_wait3A_76, %dma_wait3A_77] : memref<2x128x128xf32, #tpu.memory_space<vmem>> -> memref<1x128x128xf32, #tpu.memory_space<vmem>>
        %dma_wait3A_79 = tpu.memref_squeeze %dma_wait3A_78 : memref<1x128x128xf32, #tpu.memory_space<vmem>> -> memref<128x128xf32, #tpu.memory_space<vmem>>
        %dma_wait3A_80 = arith.constant 0 : i32
        %dma_wait3A_81 = arith.constant 0 : i32
        %dma_wait3A_82 = tpu.memref_slice %dma_wait3A_79[%dma_wait3A_80, %dma_wait3A_81] : memref<128x128xf32, #tpu.memory_space<vmem>> -> memref<125x128xf32, #tpu.memory_space<vmem>>
        tpu.wait_dma2 semaphore(%run_scoped3A_48 : memref<!tpu.dma_semaphore, #tpu.memory_space<semaphore_mem>>) src(%dma_wait3A_82 : memref<125x128xf32, #tpu.memory_space<vmem>>) dst(%dma_wait3A_75 : memref<125x128xf32, #tpu.memory_space<hbm>>)
        tpu.yield
      }) : () -> ()
    }
    %scan3A_16 = arith.constant 20 : i32
    %mul3A_17 = arith.constant 12800 : i32
    %mul3A_18 = arith.muli %add3A, %mul3A_17 : i32
    %mul3A_19 = arith.constant 2 : i32
    %mul3A_20 = arith.muli %mul3A_18, %mul3A_19 : i32
    "tpu.region"() ({
      %run_scoped3A = tpu.sem_alloc : memref<!tpu.dma_semaphore, #tpu.memory_space<semaphore_mem>>
      %dma_start3A = tpu.memref_slice %arg2[%mul3A_20] : memref<819200xi32, #tpu.memory_space<hbm>> -> memref<25600xi32, #tpu.memory_space<hbm>>
      %dma_start3A_38 = tpu.memref_slice %arg2[%mul3A_20] : memref<819200xi32, #tpu.memory_space<hbm>> -> memref<25600xi32, #tpu.memory_space<hbm>>
      tpu.enqueue_dma source(%dma_start3A_38 : memref<25600xi32, #tpu.memory_space<hbm>>) target(%arg9 : memref<25600xi32, #tpu.memory_space<vmem>>) target_semaphore(%run_scoped3A : memref<!tpu.dma_semaphore, #tpu.memory_space<semaphore_mem>>)
      %dma_wait3A = tpu.memref_slice %arg2[%mul3A_20] : memref<819200xi32, #tpu.memory_space<hbm>> -> memref<25600xi32, #tpu.memory_space<hbm>>
      %dma_wait3A_39 = tpu.memref_slice %arg2[%mul3A_20] : memref<819200xi32, #tpu.memory_space<hbm>> -> memref<25600xi32, #tpu.memory_space<hbm>>
      tpu.wait_dma2 semaphore(%run_scoped3A : memref<!tpu.dma_semaphore, #tpu.memory_space<semaphore_mem>>) src(%dma_wait3A_39 : memref<25600xi32, #tpu.memory_space<hbm>>) dst(%arg9 : memref<25600xi32, #tpu.memory_space<vmem>>)
      tpu.yield
    }) : () -> ()
    %iota3A = tpu.iota {dimensions = array<i32: 0>} : vector<16xi32>
    %mul3A_21 = arith.constant 2 : i32
    %mul3A_22 = vector.broadcast %mul3A_21 : i32 to vector<16xi32>
    %mul3A_23 = arith.muli %iota3A, %mul3A_22 : vector<16xi32>
    %mul3A_24 = arith.constant 40000 : i32
    %mul3A_25 = arith.muli %arg0, %mul3A_24 : i32
    %scan3A_26 = arith.constant 0 : i32
    %scan3A_27 = arith.constant 0 : i32
    %scan3A_28 = arith.constant 800 : i32
    %scan3A_29 = arith.addi %scan3A_27, %scan3A_28 : i32
    %scan3A_30 = arith.constant 1 : i32
    scf.for %scan3A_38 = %scan3A_27 to %scan3A_29 step %scan3A_30  : i32 {
      %mul3A_39 = arith.constant 32 : i32
      %mul3A_40 = arith.muli %scan3A_38, %mul3A_39 : i32
      %add3A_41 = vector.broadcast %mul3A_40 : i32 to vector<16xi32>
      %add3A_42 = arith.addi %mul3A_23, %add3A_41 : vector<16xi32>
      %gather3A = tpu.vector_load_idx %arg9[%add3A_42] : memref<25600xi32, #tpu.memory_space<vmem>>[vector<16xi32>], vector<16xi32>,
      %add3A_43 = arith.constant 1 : i32
      %add3A_44 = arith.addi %mul3A_40, %add3A_43 : i32
      %add3A_45 = vector.broadcast %add3A_44 : i32 to vector<16xi32>
      %add3A_46 = arith.addi %mul3A_23, %add3A_45 : vector<16xi32>
      %gather3A_47 = tpu.vector_load_idx %arg9[%add3A_46] : memref<25600xi32, #tpu.memory_space<vmem>>[vector<16xi32>], vector<16xi32>,
      %mul3A_48 = arith.constant 200 : i32
      %mul3A_49 = vector.broadcast %mul3A_48 : i32 to vector<16xi32>
      %mul3A_50 = arith.muli %gather3A, %mul3A_49 : vector<16xi32>
      %add3A_51 = arith.addi %mul3A_50, %gather3A_47 : vector<16xi32>
      %add3A_52 = vector.broadcast %mul3A_25 : i32 to vector<16xi32>
      %add3A_53 = arith.addi %add3A_51, %add3A_52 : vector<16xi32>
      %mul3A_54 = arith.constant 16 : i32
      %mul3A_55 = arith.muli %scan3A_38, %mul3A_54 : i32
      %swap3A = arith.index_cast %mul3A_55 : i32 to index
      %swap3A_56 = tpu.vector_load %arg10[%swap3A] {strides = array<i32>} : memref<12800xi32, #tpu.memory_space<vmem>>, vector<16xi32>,
      tpu.vector_store %arg10[%swap3A], %add3A_53 {strides = array<i32>} : memref<12800xi32, #tpu.memory_space<vmem>>, vector<16xi32>,
    }
    %scan3A_31 = arith.constant 800 : i32
    %barrier3A = arith.constant 0 : index
    tpu.barrier barrier_id(%barrier3A)
    %scan3A_32 = arith.constant 0 : i32
    %scan3A_33 = arith.constant 0 : i32
    %scan3A_34 = arith.constant 50 : i32
    %scan3A_35 = arith.addi %scan3A_33, %scan3A_34 : i32
    %scan3A_36 = arith.constant 1 : i32
    scf.for %scan3A_38 = %scan3A_33 to %scan3A_35 step %scan3A_36  : i32 {
      %mul3A_39 = arith.constant 2 : i32
      %mul3A_40 = arith.muli %scan3A_38, %mul3A_39 : i32
      %add3A_41 = arith.constant 0 : i32
      %add3A_42 = arith.addi %mul3A_40, %add3A_41 : i32
      %mul3A_43 = arith.constant 128 : i32
      %mul3A_44 = arith.muli %add3A_42, %mul3A_43 : i32
      %dma_start3A = arith.constant 0 : i32
      %dma_start3A_45 = arith.constant 0 : i32
      %dma_start3A_46 = arith.constant 0 : i32
      %dma_start3A_47 = tpu.memref_slice %arg11[%dma_start3A, %dma_start3A_45, %dma_start3A_46] : memref<2x128x128xf32, #tpu.memory_space<vmem>> -> memref<1x128x128xf32, #tpu.memory_space<vmem>>
      %dma_start3A_48 = tpu.memref_squeeze %dma_start3A_47 : memref<1x128x128xf32, #tpu.memory_space<vmem>> -> memref<128x128xf32, #tpu.memory_space<vmem>>
      %dma_start3A_49 = tpu.memref_slice %arg10[%mul3A_44] : memref<12800xi32, #tpu.memory_space<vmem>> -> memref<128xi32, #tpu.memory_space<vmem>>
      %dma_start3A_50 = arith.constant 0 : i32
      %dma_start3A_51 = arith.constant 0 : i32
      %dma_start3A_52 = tpu.memref_slice %arg6[%dma_start3A_50, %dma_start3A_51] : memref<80000x128xf32, #tpu.memory_space<hbm>> -> memref<80000x128xf32, #tpu.memory_space<hbm>>
      tpu.enqueue_indirect_dma source(%dma_start3A_52 : memref<80000x128xf32, #tpu.memory_space<hbm>>) target(%dma_start3A_48 : memref<128x128xf32, #tpu.memory_space<vmem>>) offsets(%dma_start3A_49 : memref<128xi32, #tpu.memory_space<vmem>>) semaphore(%arg12 : memref<!tpu.dma_semaphore, #tpu.memory_space<semaphore_mem>>)
      %add3A_53 = arith.constant 1 : i32
      %add3A_54 = arith.addi %mul3A_40, %add3A_53 : i32
      %mul3A_55 = arith.constant 128 : i32
      %mul3A_56 = arith.muli %add3A_54, %mul3A_55 : i32
      %dma_start3A_57 = arith.constant 1 : i32
      %dma_start3A_58 = arith.constant 0 : i32
      %dma_start3A_59 = arith.constant 0 : i32
      %dma_start3A_60 = tpu.memref_slice %arg11[%dma_start3A_57, %dma_start3A_58, %dma_start3A_59] : memref<2x128x128xf32, #tpu.memory_space<vmem>> -> memref<1x128x128xf32, #tpu.memory_space<vmem>>
      %dma_start3A_61 = tpu.memref_squeeze %dma_start3A_60 : memref<1x128x128xf32, #tpu.memory_space<vmem>> -> memref<128x128xf32, #tpu.memory_space<vmem>>
      %dma_start3A_62 = tpu.memref_slice %arg10[%mul3A_56] : memref<12800xi32, #tpu.memory_space<vmem>> -> memref<128xi32, #tpu.memory_space<vmem>>
      %dma_start3A_63 = arith.constant 0 : i32
      %dma_start3A_64 = arith.constant 0 : i32
      %dma_start3A_65 = tpu.memref_slice %arg6[%dma_start3A_63, %dma_start3A_64] : memref<80000x128xf32, #tpu.memory_space<hbm>> -> memref<80000x128xf32, #tpu.memory_space<hbm>>
      tpu.enqueue_indirect_dma source(%dma_start3A_65 : memref<80000x128xf32, #tpu.memory_space<hbm>>) target(%dma_start3A_61 : memref<128x128xf32, #tpu.memory_space<vmem>>) offsets(%dma_start3A_62 : memref<128xi32, #tpu.memory_space<vmem>>) semaphore(%arg12 : memref<!tpu.dma_semaphore, #tpu.memory_space<semaphore_mem>>)
      %dma_wait3A = arith.constant 0 : i32
      %dma_wait3A_66 = arith.constant 0 : i32
      %dma_wait3A_67 = arith.constant 0 : i32
      %dma_wait3A_68 = tpu.memref_slice %arg11[%dma_wait3A, %dma_wait3A_66, %dma_wait3A_67] : memref<2x128x128xf32, #tpu.memory_space<vmem>> -> memref<1x128x128xf32, #tpu.memory_space<vmem>>
      %dma_wait3A_69 = tpu.memref_squeeze %dma_wait3A_68 : memref<1x128x128xf32, #tpu.memory_space<vmem>> -> memref<128x128xf32, #tpu.memory_space<vmem>>
      %dma_wait3A_70 = tpu.memref_slice %arg10[%mul3A_44] : memref<12800xi32, #tpu.memory_space<vmem>> -> memref<128xi32, #tpu.memory_space<vmem>>
      %dma_wait3A_71 = arith.constant 0 : i32
      %dma_wait3A_72 = arith.constant 0 : i32
      %dma_wait3A_73 = tpu.memref_slice %arg6[%dma_wait3A_71, %dma_wait3A_72] : memref<80000x128xf32, #tpu.memory_space<hbm>> -> memref<80000x128xf32, #tpu.memory_space<hbm>>
      tpu.wait_indirect_dma semaphore(%arg12 : memref<!tpu.dma_semaphore, #tpu.memory_space<semaphore_mem>>) src(%dma_wait3A_73 : memref<80000x128xf32, #tpu.memory_space<hbm>>) dst(%dma_wait3A_69 : memref<128x128xf32, #tpu.memory_space<vmem>>)
      %dma_wait3A_74 = arith.constant 1 : i32
      %dma_wait3A_75 = arith.constant 0 : i32
      %dma_wait3A_76 = arith.constant 0 : i32
      %dma_wait3A_77 = tpu.memref_slice %arg11[%dma_wait3A_74, %dma_wait3A_75, %dma_wait3A_76] : memref<2x128x128xf32, #tpu.memory_space<vmem>> -> memref<1x128x128xf32, #tpu.memory_space<vmem>>
      %dma_wait3A_78 = tpu.memref_squeeze %dma_wait3A_77 : memref<1x128x128xf32, #tpu.memory_space<vmem>> -> memref<128x128xf32, #tpu.memory_space<vmem>>
      %dma_wait3A_79 = tpu.memref_slice %arg10[%mul3A_56] : memref<12800xi32, #tpu.memory_space<vmem>> -> memref<128xi32, #tpu.memory_space<vmem>>
      %dma_wait3A_80 = arith.constant 0 : i32
      %dma_wait3A_81 = arith.constant 0 : i32
      %dma_wait3A_82 = tpu.memref_slice %arg6[%dma_wait3A_80, %dma_wait3A_81] : memref<80000x128xf32, #tpu.memory_space<hbm>> -> memref<80000x128xf32, #tpu.memory_space<hbm>>
      tpu.wait_indirect_dma semaphore(%arg12 : memref<!tpu.dma_semaphore, #tpu.memory_space<semaphore_mem>>) src(%dma_wait3A_82 : memref<80000x128xf32, #tpu.memory_space<hbm>>) dst(%dma_wait3A_78 : memref<128x128xf32, #tpu.memory_space<vmem>>)
      %mul3A_83 = arith.constant 12800 : i32
      %mul3A_84 = arith.muli %add3A, %mul3A_83 : i32
      %add3A_85 = arith.constant 0 : i32
      %add3A_86 = arith.addi %mul3A_40, %add3A_85 : i32
      %mul3A_87 = arith.constant 128 : i32
      %mul3A_88 = arith.muli %add3A_86, %mul3A_87 : i32
      %add3A_89 = arith.addi %mul3A_84, %mul3A_88 : i32
      %dma_start3A_90 = arith.constant 0 : i32
      %dma_start3A_91 = arith.constant 0 : i32
      %dma_start3A_92 = arith.constant 0 : i32
      %dma_start3A_93 = tpu.memref_slice %arg11[%dma_start3A_90, %dma_start3A_91, %dma_start3A_92] : memref<2x128x128xf32, #tpu.memory_space<vmem>> -> memref<1x128x128xf32, #tpu.memory_space<vmem>>
      %dma_start3A_94 = tpu.memref_squeeze %dma_start3A_93 : memref<1x128x128xf32, #tpu.memory_space<vmem>> -> memref<128x128xf32, #tpu.memory_space<vmem>>
      %dma_start3A_95 = arith.constant 0 : i32
      %dma_start3A_96 = tpu.memref_slice %arg5[%add3A_89, %dma_start3A_95] : memref<409600x128xf32, #tpu.memory_space<hbm>> -> memref<128x128xf32, #tpu.memory_space<hbm>>
      %dma_start3A_97 = arith.constant 0 : i32
      %dma_start3A_98 = tpu.memref_slice %arg5[%add3A_89, %dma_start3A_97] : memref<409600x128xf32, #tpu.memory_space<hbm>> -> memref<128x128xf32, #tpu.memory_space<hbm>>
      %dma_start3A_99 = arith.constant 0 : i32
      %dma_start3A_100 = arith.constant 0 : i32
      %dma_start3A_101 = tpu.memref_slice %arg11[%dma_start3A_90, %dma_start3A_99, %dma_start3A_100] : memref<2x128x128xf32, #tpu.memory_space<vmem>> -> memref<1x128x128xf32, #tpu.memory_space<vmem>>
      %dma_start3A_102 = tpu.memref_squeeze %dma_start3A_101 : memref<1x128x128xf32, #tpu.memory_space<vmem>> -> memref<128x128xf32, #tpu.memory_space<vmem>>
      tpu.enqueue_dma source(%dma_start3A_102 : memref<128x128xf32, #tpu.memory_space<vmem>>) target(%dma_start3A_98 : memref<128x128xf32, #tpu.memory_space<hbm>>) target_semaphore(%arg13 : memref<!tpu.dma_semaphore, #tpu.memory_space<semaphore_mem>>)
      %mul3A_103 = arith.constant 12800 : i32
      %mul3A_104 = arith.muli %add3A, %mul3A_103 : i32
      %add3A_105 = arith.constant 1 : i32
      %add3A_106 = arith.addi %mul3A_40, %add3A_105 : i32
      %mul3A_107 = arith.constant 128 : i32
      %mul3A_108 = arith.muli %add3A_106, %mul3A_107 : i32
      %add3A_109 = arith.addi %mul3A_104, %mul3A_108 : i32
      %dma_start3A_110 = arith.constant 1 : i32
      %dma_start3A_111 = arith.constant 0 : i32
      %dma_start3A_112 = arith.constant 0 : i32
      %dma_start3A_113 = tpu.memref_slice %arg11[%dma_start3A_110, %dma_start3A_111, %dma_start3A_112] : memref<2x128x128xf32, #tpu.memory_space<vmem>> -> memref<1x128x128xf32, #tpu.memory_space<vmem>>
      %dma_start3A_114 = tpu.memref_squeeze %dma_start3A_113 : memref<1x128x128xf32, #tpu.memory_space<vmem>> -> memref<128x128xf32, #tpu.memory_space<vmem>>
      %dma_start3A_115 = arith.constant 0 : i32
      %dma_start3A_116 = tpu.memref_slice %arg5[%add3A_109, %dma_start3A_115] : memref<409600x128xf32, #tpu.memory_space<hbm>> -> memref<128x128xf32, #tpu.memory_space<hbm>>
      %dma_start3A_117 = arith.constant 0 : i32
      %dma_start3A_118 = tpu.memref_slice %arg5[%add3A_109, %dma_start3A_117] : memref<409600x128xf32, #tpu.memory_space<hbm>> -> memref<128x128xf32, #tpu.memory_space<hbm>>
      %dma_start3A_119 = arith.constant 0 : i32
      %dma_start3A_120 = arith.constant 0 : i32
      %dma_start3A_121 = tpu.memref_slice %arg11[%dma_start3A_110, %dma_start3A_119, %dma_start3A_120] : memref<2x128x128xf32, #tpu.memory_space<vmem>> -> memref<1x128x128xf32, #tpu.memory_space<vmem>>
      %dma_start3A_122 = tpu.memref_squeeze %dma_start3A_121 : memref<1x128x128xf32, #tpu.memory_space<vmem>> -> memref<128x128xf32, #tpu.memory_space<vmem>>
      tpu.enqueue_dma source(%dma_start3A_122 : memref<128x128xf32, #tpu.memory_space<vmem>>) target(%dma_start3A_118 : memref<128x128xf32, #tpu.memory_space<hbm>>) target_semaphore(%arg13 : memref<!tpu.dma_semaphore, #tpu.memory_space<semaphore_mem>>)
      %dma_wait3A_123 = arith.constant 0 : i32
      %dma_wait3A_124 = arith.constant 0 : i32
      %dma_wait3A_125 = arith.constant 0 : i32
      %dma_wait3A_126 = tpu.memref_slice %arg11[%dma_wait3A_123, %dma_wait3A_124, %dma_wait3A_125] : memref<2x128x128xf32, #tpu.memory_space<vmem>> -> memref<1x128x128xf32, #tpu.memory_space<vmem>>
      %dma_wait3A_127 = tpu.memref_squeeze %dma_wait3A_126 : memref<1x128x128xf32, #tpu.memory_space<vmem>> -> memref<128x128xf32, #tpu.memory_space<vmem>>
      %dma_wait3A_128 = arith.constant 0 : i32
      %dma_wait3A_129 = tpu.memref_slice %arg5[%add3A_89, %dma_wait3A_128] : memref<409600x128xf32, #tpu.memory_space<hbm>> -> memref<128x128xf32, #tpu.memory_space<hbm>>
      %dma_wait3A_130 = arith.constant 0 : i32
      %dma_wait3A_131 = tpu.memref_slice %arg5[%add3A_89, %dma_wait3A_130] : memref<409600x128xf32, #tpu.memory_space<hbm>> -> memref<128x128xf32, #tpu.memory_space<hbm>>
      %dma_wait3A_132 = arith.constant 0 : i32
      %dma_wait3A_133 = arith.constant 0 : i32
      %dma_wait3A_134 = tpu.memref_slice %arg11[%dma_wait3A_123, %dma_wait3A_132, %dma_wait3A_133] : memref<2x128x128xf32, #tpu.memory_space<vmem>> -> memref<1x128x128xf32, #tpu.memory_space<vmem>>
      %dma_wait3A_135 = tpu.memref_squeeze %dma_wait3A_134 : memref<1x128x128xf32, #tpu.memory_space<vmem>> -> memref<128x128xf32, #tpu.memory_space<vmem>>
      tpu.wait_dma2 semaphore(%arg13 : memref<!tpu.dma_semaphore, #tpu.memory_space<semaphore_mem>>) src(%dma_wait3A_135 : memref<128x128xf32, #tpu.memory_space<vmem>>) dst(%dma_wait3A_131 : memref<128x128xf32, #tpu.memory_space<hbm>>)
      %dma_wait3A_136 = arith.constant 1 : i32
      %dma_wait3A_137 = arith.constant 0 : i32
      %dma_wait3A_138 = arith.constant 0 : i32
      %dma_wait3A_139 = tpu.memref_slice %arg11[%dma_wait3A_136, %dma_wait3A_137, %dma_wait3A_138] : memref<2x128x128xf32, #tpu.memory_space<vmem>> -> memref<1x128x128xf32, #tpu.memory_space<vmem>>
      %dma_wait3A_140 = tpu.memref_squeeze %dma_wait3A_139 : memref<1x128x128xf32, #tpu.memory_space<vmem>> -> memref<128x128xf32, #tpu.memory_space<vmem>>
      %dma_wait3A_141 = arith.constant 0 : i32
      %dma_wait3A_142 = tpu.memref_slice %arg5[%add3A_109, %dma_wait3A_141] : memref<409600x128xf32, #tpu.memory_space<hbm>> -> memref<128x128xf32, #tpu.memory_space<hbm>>
      %dma_wait3A_143 = arith.constant 0 : i32
      %dma_wait3A_144 = tpu.memref_slice %arg5[%add3A_109, %dma_wait3A_143] : memref<409600x128xf32, #tpu.memory_space<hbm>> -> memref<128x128xf32, #tpu.memory_space<hbm>>
      %dma_wait3A_145 = arith.constant 0 : i32
      %dma_wait3A_146 = arith.constant 0 : i32
      %dma_wait3A_147 = tpu.memref_slice %arg11[%dma_wait3A_136, %dma_wait3A_145, %dma_wait3A_146] : memref<2x128x128xf32, #tpu.memory_space<vmem>> -> memref<1x128x128xf32, #tpu.memory_space<vmem>>
      %dma_wait3A_148 = tpu.memref_squeeze %dma_wait3A_147 : memref<1x128x128xf32, #tpu.memory_space<vmem>> -> memref<128x128xf32, #tpu.memory_space<vmem>>
      tpu.wait_dma2 semaphore(%arg13 : memref<!tpu.dma_semaphore, #tpu.memory_space<semaphore_mem>>) src(%dma_wait3A_148 : memref<128x128xf32, #tpu.memory_space<vmem>>) dst(%dma_wait3A_144 : memref<128x128xf32, #tpu.memory_space<hbm>>)
    }
    %scan3A_37 = arith.constant 50 : i32
    return
  }
}

</mosaic_0001>

<sc_bundles>
// kernel: kernel.3.cloned.1.call-start
scs
__scs_entry_jumppad:
0x0: {  	(pc) =	sbr.rel $0x88, $3  }
0x1: {  	(tag) =	ssettag $0x0;
	lr =	simm.s32 $0x1  }
0x2: {  	[smem:$0x3F9E] =	sst lr;
	_ =	strace $0xD0000000  }
0x3: {  	_ = 	snop  }
0x4: {  	_ = 	snop  }
0x5: {  	_ = 	snop  }
0x6: {  	_ = 	snop  }
0x7: {  	_ = 	snop  }
__scs_overlays_trampoline_lowered:
0x8: {  	[smem:$0x3FAD] =	sst s0  }
0x9: {  	[smem:$0x3FAE] =	sst s1  }
0xa: {  	[smem:$0x3FAF] =	sst s2  }
0xb: {  	[smem:$0x3FB0] =	sst s3  }
0xc: {  	[smem:$0x3FB1] =	sst s4  }
0xd: {  	[smem:$0x3FB2] =	sst s5  }
0xe: {  	[smem:$0x3FB3] =	sst s6  }
0xf: {  	[smem:$0x3FB4] =	sst s7  }
0x10: {  	[smem:$0x3FB5] =	sst s8  }
0x11: {  	[smem:$0x3FB6] =	sst s9;
	s0 =	simm.s32 @!p0 $0x0  }
0x12: {  	s1 =	sld [smem:$0x3F9C];
	s0 =	simm.s32 @p0 $0x1  }
0x13: {  	[smem:$0x3FB7] =	sst s0;
	s0 =	simm.s32 @!p1 $0x0  }
0x14: {  	s2 =	sld [smem:$0x3F9B];
	s0 =	simm.s32 @p1 $0x1  }
0x15: {  	[smem:$0x3FB8] =	sst s0;
	s0 =	simm.s32 @!p2 $0x0  }
0x16: {  	s3 =	sld [smem:$0x3FDB];
	s0 =	simm.s32 @p2 $0x1  }
0x17: {  	s4 =	simm.s32 $0x1BF5;
	[smem:$0x3FBA] =	sst s0  }
0x18: {  	s0 =	sld [smem:$0x3F9D];
	_ =	swait.ge [sflag:s4], $0x0  }
0x19: {  	s7 =	sld [smem:$0x3F9E]  }
0x1a: {  	s8 =	sadd.s32 $0xFFFFE003, lr  }
0x1b: {  	s9 =	sadd.s32 $0xFFFFFEF7, lr;
	s5 =	simm.s32 $0xFFFFFFFF;
	p2 =	slt.u32 s8, $0xFFFFF086  }
0x1c: {  	p1 =	slt.u32 s9, $0xF7A;
	s5 =	simm.s32 @!p2 $0x0  }
0x1d: {  	s5 =	simm.s32 @p1 $0x1;
	p0 =	seq.s32 s7, s2  }
0x1e: {  	s7 =	smul.u32 @!p0 $0xF7A, s2;
	p2 =	seq.s32 @!p0 s5, $0x0  }
0x1f: {  	s9 =	smul.u32 $0xF7A, s1;
	s8 =	simm.s32 @!p0 $0x1BF5;
	p2 =	por !p2, p0  }
0x20: {  	[sflag:s8] =	ssyncset.s32 @!p0 $0xFFFFF086;
	s6 =	sadd.s32 @!p0 s3, s7;
	s7 =	simm.s32 @!p0 $0x108  }
0x21: {  	s3 =	sadd.s32 s3, s9;
	s6 =	sadd.s32 @!p0 $0x88, s6;
	s7 =	simm.s32 @p2 $0x1082  }
0x22: {  	[simem:s7], [sflag:s8] =	dma.local @!p0 [hbm:s6], $0xF7A  }
0x23: {  	s9 =	sor.u32 $0xD0000000, s2;
	s6 =	simm.s32 $0x108;
	_ =	swait.ge @!p0 [sflag:s8], $0x0  }
0x24: {  	s3 =	sadd.s32 $0x88, s3;
	s6 =	simm.s32 @!p1 $0x1082;
	[sflag:s4] =	ssyncset.s32 $0xFFFFF086  }
0x25: {  	[simem:s6], [sflag:s4] =	dma.local [hbm:s3], $0xF7A  }
0x26: {  	[smem:$0x3F9E] =	sst s1;
	(tag) =	ssettag s2;
	_ =	strace s9  }
0x27: {  	s1 =	sld [smem:$0x3FAE]  }
0x28: {  	s2 =	sld [smem:$0x3FAF]  }
0x29: {  	s4 =	sld [smem:$0x3FB1]  }
0x2a: {  	p0 =	seq.s32 s5, $0x0;
	s5 =	sld [smem:$0x3FB2]  }
0x2b: {  	s6 =	sld [smem:$0x3FB3]  }
0x2c: {  	s7 =	sld [smem:$0x3FB4]  }
0x2d: {  	s3 =	simm.s32 $0x108;
	s8 =	sld [smem:$0x3FB5]  }
0x2e: {  	s3 =	simm.s32 @!p0 $0x1082;
	s9 =	sld [smem:$0x3FB6]  }
0x2f: {  	lr =	sadd.s32 s0, s3;
	s0 =	sld [smem:$0x3FAD]  }
0x30: {  	s3 =	sld [smem:$0x3FB0]  }
0x31: {  	[smem:$0x3FB9] =	sst s10  }
0x32: {  	s10 =	sld [smem:$0x3FB7];
	_ =	sdelay $0x3  }
0x33: {  	p0 =	seq.s32 s10, $0x1;
	s10 =	sld [smem:$0x3FB9];
	_ =	sdelay $0x3  }
0x34: {  	[smem:$0x3FB9] =	sst s10  }
0x35: {  	s10 =	sld [smem:$0x3FB8];
	_ =	sdelay $0x3  }
0x36: {  	p1 =	seq.s32 s10, $0x1;
	s10 =	sld [smem:$0x3FB9];
	_ =	sdelay $0x3  }
0x37: {  	[smem:$0x3FB9] =	sst s10  }
0x38: {  	s10 =	sld [smem:$0x3FBA]  }
0x39: {  	_ = 	snop;
	(pc) =	sbr.ind lr, $3  }
0x3a: {  	_ = 	snop  }
0x3b: {  	_ = 	snop  }
0x3c: {  	p2 =	seq.s32 s10, $0x1;
	s10 =	sld [smem:$0x3FB9]  }
0x3d: {  	_ =	shalt  }
0x3e: {  	_ =	shalt  }
0x3f: {  	_ =	shalt  }
0x40: {  	_ =	shalt  }
0x41: {  	_ =	shalt  }
0x42: {  	_ =	shalt  }
0x43: {  	_ =	shalt  }
0x44: {  	_ =	shalt  }
0x45: {  	_ =	shalt  }
0x46: {  	_ =	shalt  }
0x47: {  	_ =	shalt  }
0x48: {  	_ =	shalt  }
0x49: {  	_ =	shalt  }
0x4a: {  	_ =	shalt  }
0x4b: {  	_ =	shalt  }
0x4c: {  	_ =	shalt  }
0x4d: {  	_ =	shalt  }
0x4e: {  	_ =	shalt  }
0x4f: {  	_ =	shalt  }
0x50: {  	_ =	shalt  }
0x51: {  	_ =	shalt  }
0x52: {  	_ =	shalt  }
0x53: {  	_ =	shalt  }
0x54: {  	_ =	shalt  }
0x55: {  	_ =	shalt  }
0x56: {  	_ =	shalt  }
0x57: {  	_ =	shalt  }
0x58: {  	_ =	shalt  }
0x59: {  	_ =	shalt  }
0x5a: {  	_ =	shalt  }
0x5b: {  	_ =	shalt  }
0x5c: {  	_ =	shalt  }
0x5d: {  	_ =	shalt  }
0x5e: {  	_ =	shalt  }
0x5f: {  	_ =	shalt  }
0x60: {  	_ =	shalt  }
0x61: {  	_ =	shalt  }
0x62: {  	_ =	shalt  }
0x63: {  	_ =	shalt  }
0x64: {  	_ =	shalt  }
0x65: {  	_ =	shalt  }
0x66: {  	_ =	shalt  }
0x67: {  	_ =	shalt  }
0x68: {  	_ =	shalt  }
0x69: {  	_ =	shalt  }
0x6a: {  	_ =	shalt  }
0x6b: {  	_ =	shalt  }
0x6c: {  	_ =	shalt  }
0x6d: {  	_ =	shalt  }
0x6e: {  	_ =	shalt  }
0x6f: {  	_ =	shalt  }
0x70: {  	_ =	shalt  }
0x71: {  	_ =	shalt  }
0x72: {  	_ =	shalt  }
0x73: {  	_ =	shalt  }
0x74: {  	_ =	shalt  }
0x75: {  	_ =	shalt  }
0x76: {  	_ =	shalt  }
0x77: {  	_ =	shalt  }
0x78: {  	_ =	shalt  }
0x79: {  	_ =	shalt  }
0x7a: {  	_ =	shalt  }
0x7b: {  	_ =	shalt  }
0x7c: {  	_ =	shalt  }
0x7d: {  	_ =	shalt  }
0x7e: {  	_ =	shalt  }
0x7f: {  	_ =	shalt  }
0x80: {  	_ =	shalt  }
0x81: {  	_ =	shalt  }
0x82: {  	_ =	shalt  }
0x83: {  	_ =	shalt  }
0x84: {  	_ =	shalt  }
0x85: {  	_ =	shalt  }
0x86: {  	_ =	shalt  }
0x87: {  	_ =	shalt  }
.Lfunc_end0:
.L_simem_size_0:
called_computation.1_lowered:
.L_overlay_start_0:
0x88: {  	s2 =	sld [smem:$0x3FD9]  }
0x89: {  	s3 =	sld [smem:$0x3FFE];
	_ =	sdelay $0x1  }
0x8a: {  	s1 =	srdreg.scid  }
0x8b: {  	s0 =	sand.u32 $0x1, s1  }
0x8c: {  	s18 =	sshll.u32 s0, $0xA;
	s2 =	sadd.s32 s3, s2  }
0x8d: {  	s3 =	sadd.s32 s2, s18  }
0x8e: {  	[smem:$0x3FC5] =	sst s3  }
0x8f: {  	_ = 	snop  }
0x90: {  	s3 =	sld [smem:$0x3FD0];
	(tm) =	ssettm $0x1  }
0x91: {  	s4 =	sld [smem:$0x3FFB];
	_ =	sdelay $0x3  }
0x92: {  	_ =	strace s4  }
0x93: {  	s4 =	sld [smem:$0x3FFC];
	_ =	sdelay $0x3  }
0x94: {  	_ =	strace s4  }
0x95: {  	s4 =	sld [smem:$0x3FFD];
	_ =	sdelay $0x3  }
0x96: {  	_ =	strace s4  }
0x97: {  	_ =	strace $0x8FFFFFFF  }
0x98: {  	s19 =	sld [smem:$0x3FDB];
	_ =	sdelay $0x1  }
0x99: {  	s5 =	simm.s32 $_scs_section_size  }
0x9a: {  	s6 =	simm.s32 $_size__tile_overlayer_lowered;
	s7 =	simm.s32 $_tile_overlayer_lowered  }
0x9b: {  	s22 =	simm.s32 $0x1BFF;
	s21 =	sshll.u32 s7, $0x1;
	s4 =	sadd.s32 s5, s19  }
0x9c: {  	s8 =	simm.s32 $0x0;
	s20 =	sshll.u32 s6, $0x1;
	s6 =	sadd.s32 s21, s4  }
0x9d: {  	[timem:s8], [sflag:s22] =	dma.local [hbm:s6], s20  }
0x9e: {  	_ =	swait.ge [sflag:s22], s20  }
0x9f: {  	s5 =	ssub.s32 $0x0, s20;
	[sflag:s22] =	ssyncset.done $0x0  }
0xa0: {  	[sflag:s22] =	ssyncadd.s32 s5;
	_ =	sdelay $0x1  }
0xa1: {  	s23 =	simm.s32 $0x1B8B  }
0xa2: {  	_ =	swait.ge [sflag:s23], $0x1  }
0xa3: {  	[sflag:s23] =	ssyncset.done $0x0  }
0xa4: {  	s25 =	simm.s32 $0x1B8E;
	s24 =	sld [smem:$0x3FFE];
	[sflag:s23] =	ssyncadd.s32 $0xFFFFFFFF  }
0xa5: {  	s26 =	simm.s32 $execute0_lowered;
	[smem:$0x3FD2] =	sst s25  }
0xa6: {  	s6 =	sshll.u32 s26, $0x1;
	_ =	strace $0x80000046;
	[dreg:$0x1] =	wrdreg $0xFFFFFFFF  }
0xa7: {  	s28 =	simm.s32 $_size_execute0_lowered;
	s4 =	sadd.s32 s4, s6;
	[dreg:$0x0] =	wrdreg $0x0  }
0xa8: {  	s6 =	sshll.u32 s28, $0x1;
	[dreg:$0x2] =	wrdreg s4  }
0xa9: {  	[dreg:$0x3] =	wrdreg s6  }
0xaa: {  	[dreg:$0x4] =	wrdreg $0xC0  }
0xab: {  	_ =	task [dreg:s8], $0x5FFFF  }
0xac: {  	[dreg:$0x1] =	wrdreg $0xFFFFFFFF  }
0xad: {  	[dreg:$0x0] =	wrdreg $0x60  }
0xae: {  	[dreg:$0x2] =	wrdreg s24  }
0xaf: {  	s2 =	sadd.s32 $0x800, s2;
	[dreg:$0x3] =	wrdreg s3  }
0xb0: {  	[dreg:$0x4] =	wrdreg s2  }
0xb1: {  	[dreg:$0x5] =	wrdreg $0x9  }
0xb2: {  	_ =	task.clear_ibuf [dreg:s8], $0x6FFFF;
	_ =	strace $0x90000046  }
0xb3: {  	s29 =	simm.s32 $0x9;
	_ =	strace $0x80000048  }
0xb4: {  	_ =	swait.ge [sflag:s29], $0x1  }
0xb5: {  	[sflag:s29] =	ssyncadd.s32 $0xFFFFFFFF  }
0xb6: {  	_ =	strace $0x90000048  }
0xb7: {  	_ =	sfence  }
0xb8: {  	s30 =	sld [smem:$0x0];
	_ =	sdelay $0x2  }
0xb9: {  	s31 =	sshll.u32 s1, $0xD;
	s1 =	sshrl.u32 s1, $0x2  }
0xba: {  	s3 =	sand.u32 $0x4000, s31;
	s1 =	sadd.s32 s1, s30  }
0xbb: {  	s0 =	sor.u32 s3, s0;
	s1 =	sshll.u32 s1, $0x11  }
0xbc: {  	s0 =	sor.u32 s1, s0  }
0xbd: {  	s0 =	sadd.s32 $0x8F2B, s0  }
0xbe: {  	[sflag:s0] =	ssyncadd.remote.s32 $0x1  }
0xbf: {  	_ =	sfence.sel $0xFFFF  }
0xc0: {  	[dreg:$0x0] =	wrdreg $0xFFFFFFFF;
	(pc) =	sbr.abs _section_cstart, $3  }
0xc1: {  	[dreg:$0x1] =	wrdreg $0xFFFFFFFF  }
0xc2: {  	_ =	task.clear_ibuf [dreg:s8], $0x2FFFF;
	_ =	strace $0x9FFFFFFF  }
0xc3: {  	(tm) =	ssettm $0x7FFFFFFF  }
tec
execute0_lowered:
.L_overlay_start_1:
0x0: {  	(tag) =	ssettag $0x1  }
0x1: {  	s6 =	rddreg [dreg:$0x0]  }
0x2: {  	s1 =	srdreg.scid;
	s10 =	rddreg [dreg:$0x1]  }
0x3: {  	s0 =	stileid.u32;
	s2 =	rddreg [dreg:$0x2];
	s3 =	simm.s32 $0x0  }
0x4: {  	s16 =	simm.s32 $0x6400;
	s17 =	simm.s32 $0x80;
	s9 =	smul.u32 $0x6400, s0  }
0x5: {  	s18 =	simm.s32 $0x13A00;
	s20 =	simm.s32 $0x2;
	s14 =	smul.u32 $0x9C400, s0  }
0x6: {  	s21 =	simm.s32 $0x0;
	s11 =	sand.u32 $0x1, s1;
	s15 =	smul.u32 $0x64000, s0  }
0x7: {  	s28 =	sshll.u32 s0, $0x1;
	[smem:$0x7FF] =	sst s3;
	s19 =	smul.u32 $0x9C40, s11  }
0x8: {  	s5 =	sadd.s32 $0x800, s6;
	s4 =	sor.u32 s11, s28;
	s13 =	smul.u32 $0x3200, s11  }
0x9: {  	_ =	strace $0x80000047;
	s7 =	ssub.s32 $0x2, s11;
	s11 =	smul.u32 $0x32000, s11  }
0xa: {  	s4 =	smul.u32 $0xC80, s4;
	s12 =	sshrl.u32 s7, $0x1;
	s30 =	sshrl.u32 s14, $0x2  }
0xb: {  	s31 =	sadd.s32 s15, s10;
	s14 =	simm.s32 $0x3200;
	s15 =	simm.s32 $0xFA00  }
0xc: {  	s12 =	ssub.s32 s7, s12;
	s13 =	sadd.s32 s13, s9;
	s11 =	sadd.s32 s11, s31  }
0xd: {  	s8 =	sadd.s32 s4, s6;
	s4 =	smul.u32 $0x9C4, s0;
	s6 =	sadd.s32 $0x1000, s6  }
0xe: {  	v1 =	vlaneseq.u32;
	s9 =	smax.u32 s12, $0x1;
	s29 =	sshll.u32 s13, $0x4;
	s13 =	simm.s32 $0x3  }
0xf: {  	v1 =	vmul.u32 $0x2, v1;
	s8 =	sadd.s32 $0x1800, s8;
	s12 =	sadd.s32 s29, s10;
	s10 =	sadd.s32 $0x3200, s30  }
0x10: {  	v0 =	vmov s19;
	s7 =	sadd.s32 s4, s19;
	s12 =	sadd.s32 $0x800, s12;
	s19 =	simm.s32 $0x1  }
.LBB2_1:
0x11: {  	[tilespmem:s3], [sflag:$0x3] =	stream.linear.gather [hbm4b:s5+s3], $0x3200, $0x38;
	[tilespmem:$0x17A00] =	vst v63  }
0x12: {  	_ =	swait.ge [sflag:s13], $0x3200  }
0x13: {  	[sflag:s13] =	ssyncset.done $0x0  }
0x14: {  	[sflag:s13] =	ssyncadd.s32 $0xFFFFCE00  }
0x15: {  	[tilespmem:s14], [sflag:$0x3] =	stream.linear.gather [hbm4b:s6+s3], $0x3200, $0x38;
	[tilespmem:$0x17A00] =	vst v63  }
0x16: {  	_ =	swait.ge [sflag:s13], $0x3200  }
0x17: {  	[sflag:s13] =	ssyncset.done $0x0  }
0x18: {  	s22 =	simm.s32 $0x0;
	[sflag:s13] =	ssyncadd.s32 $0xFFFFCE00  }
0x19: {  	v7 =	vld [tilespmem:s22+$0x0]  }
0x1a: {  	v8 =	vld [tilespmem:s22+$0x10]  }
0x1b: {  	v3 =	vld [tilespmem:s22+$0x20]  }
0x1c: {  	v2 =	vld [tilespmem:s22+$0x30]  }
0x1d: {  	v4 =	vld [tilespmem:s22+$0x3200]  }
0x1e: {  	v6 =	vld [tilespmem:s22+$0x3210]  }
0x1f: {  	s23 =	simm.s32 $0x100;
	v5 =	vld [tilespmem:s22+$0x3220]  }
.LBB2_2:
0x20: {  	s24 =	sshra.s32 s23, $0x2;
	p0 =	sne.s32 s23, $0xC700;
	v9 =	vld [tilespmem:s22+$0x3230];
	v10 =	vmov v3  }
0x21: {  	v11 =	vld [tilespmem:s24+$0x0];
	v12 =	vmov v2  }
0x22: {  	v13 =	vld [tilespmem:s24+$0x10];
	v4 =	vadd.f32 v7, v4  }
.Ltmp0:
0x23: {  	v3 =	vld [tilespmem:s24+$0x20];
	v6 =	vadd.f32 v8, v6;
	(pc) =	sbr.rel @p0 .LBB2_2-.Ltmp0, $4  }
0x24: {  	v2 =	vld [tilespmem:s24+$0x30];
	[tilespmem:s22+$0x3200] =	vst v4;
	v5 =	vadd.f32 v10, v5  }
0x25: {  	v4 =	vld [tilespmem:s24+$0x3200];
	[tilespmem:s22+$0x3210] =	vst v6;
	v9 =	vadd.f32 v12, v9  }
0x26: {  	v6 =	vld [tilespmem:s24+$0x3210];
	[tilespmem:s22+$0x3220] =	vst v5;
	v7 =	vmov v11  }
0x27: {  	s23 =	sadd.s32 $0x100, s23;
	v5 =	vld [tilespmem:s24+$0x3220];
	[tilespmem:s22+$0x3230] =	vst v9;
	v8 =	vmov v13;
	s22 =	smov.u32 s24  }
0x28: {  	v9 =	vld [tilespmem:s22+$0x3230];
	_ =	sdelay $0x1  }
0x29: {  	v4 =	vadd.f32 v7, v4  }
0x2a: {  	v6 =	vadd.f32 v8, v6  }
0x2b: {  	[tilespmem:s22+$0x3200] =	vst v4;
	v3 =	vadd.f32 v3, v5  }
0x2c: {  	[tilespmem:s22+$0x3210] =	vst v6;
	v2 =	vadd.f32 v2, v9  }
0x2d: {  	[tilespmem:s22+$0x3220] =	vst v3  }
0x2e: {  	s23 =	smov.u32 s10;
	s24 =	smov.u32 s4;
	[tilespmem:s22+$0x3230] =	vst v2;
	s22 =	simm.s32 $0x0  }
.LBB2_4:
0x2f: {  	s25 =	smulhi.u32 $0x51EB851F, s24;
	_ =	sdelay $0x1  }
0x30: {  	s28 =	sand.u32 $0x3FFFFFC0, s25  }
0x31: {  	s25 =	sshrl.u32 s25, $0x6;
	v2 =	vld [tilespmem:s28+$0x3200]  }
0x32: {  	s25 =	smul.u32 $0xFFFF3800, s25;
	_ =	sdelay $0x1  }
0x33: {  	s25 =	sshra.s32 s25, $0x2  }
0x34: {  	s26 =	simm.s32 $0xFA40;
	s25 =	sadd.s32 s25, s23  }
0x35: {  	s30 =	sadd.s32 $0x0, s25;
	[tilespmem:s26+$0xFFFFFFC0] =	vst v2  }
0x36: {  	v2 =	vld [tilespmem:s30+$0x0];
	_ =	sdelay $0x4  }
0x37: {  	[tilespmem:s26+$0x0] =	vst v2  }
0x38: {  	v2 =	vld [tilespmem:s28+$0x3210];
	_ =	sdelay $0x4  }
0x39: {  	[tilespmem:s26+$0xFFFFFFD0] =	vst v2  }
0x3a: {  	v2 =	vld [tilespmem:s30+$0x10];
	_ =	sdelay $0x4  }
0x3b: {  	[tilespmem:s26+$0x10] =	vst v2  }
0x3c: {  	v2 =	vld [tilespmem:s28+$0x3220];
	_ =	sdelay $0x4  }
0x3d: {  	[tilespmem:s26+$0xFFFFFFE0] =	vst v2  }
0x3e: {  	v2 =	vld [tilespmem:s30+$0x20];
	_ =	sdelay $0x4  }
0x3f: {  	[tilespmem:s26+$0x20] =	vst v2  }
0x40: {  	v2 =	vld [tilespmem:s28+$0x3230];
	_ =	sdelay $0x4  }
0x41: {  	[tilespmem:s26+$0xFFFFFFF0] =	vst v2  }
0x42: {  	v2 =	vld [tilespmem:s30+$0x30]  }
0x43: {  	s29 =	sadd.s32 $0x1, s24  }
0x44: {  	s31 =	smulhi.u32 $0x51EB851F, s29  }
0x45: {  	s25 =	smul.u32 $0x7D, s22;
	s28 =	simm.s32 $0x100;
	s30 =	simm.s32 $0x200  }
.LBB2_5:
0x46: {  	p0 =	sne.s32 s30, $0x7C00  }
0x47: {  	s1 =	sand.u32 $0x3FFFFFC0, s31;
	[tilespmem:s26+$0x30] =	vst v2  }
0x48: {  	s31 =	sshrl.u32 s31, $0x6;
	v2 =	vld [tilespmem:s1+$0x3200]  }
0x49: {  	s31 =	smul.u32 $0xFFFF3800, s31;
	_ =	sdelay $0x1  }
0x4a: {  	s31 =	sshra.s32 s31, $0x2  }
0x4b: {  	s28 =	sshra.s32 s28, $0x2;
	s26 =	sadd.s32 $0x80, s26;
	s31 =	sadd.s32 s31, s23  }
0x4c: {  	s31 =	sadd.s32 s28, s31;
	s28 =	smov.u32 s30;
	[tilespmem:s26+$0xFFFFFFC0] =	vst v2  }
0x4d: {  	v2 =	vld [tilespmem:s31+$0x0];
	_ =	sdelay $0x4  }
0x4e: {  	[tilespmem:s26+$0x0] =	vst v2  }
0x4f: {  	v2 =	vld [tilespmem:s1+$0x3210];
	_ =	sdelay $0x4  }
0x50: {  	[tilespmem:s26+$0xFFFFFFD0] =	vst v2  }
0x51: {  	v2 =	vld [tilespmem:s31+$0x10];
	_ =	sdelay $0x4  }
0x52: {  	[tilespmem:s26+$0x10] =	vst v2  }
0x53: {  	v2 =	vld [tilespmem:s1+$0x3220];
	_ =	sdelay $0x4  }
0x54: {  	[tilespmem:s26+$0xFFFFFFE0] =	vst v2  }
0x55: {  	v2 =	vld [tilespmem:s31+$0x20];
	_ =	sdelay $0x4  }
0x56: {  	[tilespmem:s26+$0x20] =	vst v2  }
0x57: {  	v2 =	vld [tilespmem:s1+$0x3230];
	_ =	sdelay $0x4  }
.Ltmp1:
0x58: {  	[tilespmem:s26+$0xFFFFFFF0] =	vst v2;
	(pc) =	sbr.rel @p0 .LBB2_5-.Ltmp1, $3  }
0x59: {  	v2 =	vld [tilespmem:s31+$0x30];
	_ =	sdelay $0x1  }
0x5a: {  	s29 =	sadd.s32 $0x1, s29  }
0x5b: {  	s30 =	sadd.s32 $0x100, s30;
	s31 =	smulhi.u32 $0x51EB851F, s29  }
0x5c: {  	_ = 	snop  }
0x5d: {  	s1 =	sand.u32 $0x3FFFFFC0, s31;
	[tilespmem:s26+$0x30] =	vst v2  }
0x5e: {  	s29 =	sshrl.u32 s31, $0x6;
	v2 =	vld [tilespmem:s1+$0x3200]  }
0x5f: {  	s29 =	smul.u32 $0xFFFF3800, s29;
	_ =	sdelay $0x1  }
0x60: {  	s29 =	sshra.s32 s29, $0x2  }
0x61: {  	s28 =	sshra.s32 s28, $0x2;
	s30 =	sadd.s32 $0x80, s26;
	s29 =	sadd.s32 s29, s23  }
0x62: {  	s28 =	sadd.s32 s28, s29;
	[tilespmem:s30+$0xFFFFFFC0] =	vst v2  }
0x63: {  	v2 =	vld [tilespmem:s28+$0x0];
	_ =	sdelay $0x4  }
0x64: {  	[tilespmem:s30+$0x0] =	vst v2  }
0x65: {  	v2 =	vld [tilespmem:s1+$0x3210];
	_ =	sdelay $0x4  }
0x66: {  	[tilespmem:s30+$0xFFFFFFD0] =	vst v2  }
0x67: {  	v2 =	vld [tilespmem:s28+$0x10];
	_ =	sdelay $0x4  }
0x68: {  	[tilespmem:s30+$0x10] =	vst v2  }
0x69: {  	v2 =	vld [tilespmem:s1+$0x3220];
	_ =	sdelay $0x4  }
0x6a: {  	[tilespmem:s30+$0xFFFFFFE0] =	vst v2  }
0x6b: {  	v2 =	vld [tilespmem:s28+$0x20];
	_ =	sdelay $0x4  }
0x6c: {  	[tilespmem:s30+$0x20] =	vst v2  }
0x6d: {  	v2 =	vld [tilespmem:s1+$0x3230];
	_ =	sdelay $0x4  }
0x6e: {  	[tilespmem:s30+$0xFFFFFFF0] =	vst v2  }
0x6f: {  	v2 =	vld [tilespmem:s28+$0x30];
	_ =	sdelay $0x2  }
0x70: {  	s22 =	sadd.s32 $0x1, s22;
	s31 =	sadd.s32 s25, s7  }
0x71: {  	p0 =	sne.s32 s22, $0x14;
	s1 =	sshll.u32 s31, $0x4  }
.Ltmp2:
0x72: {  	s1 =	sadd.s32 s1, s2;
	[tilespmem:s30+$0x30] =	vst v2;
	(pc) =	sbr.rel @p0 .LBB2_4-.Ltmp2, $4  }
0x73: {  	[hbm4b:s1+s3] =	stream.linear.scatter [tilespmem:s15], [sflag:$0x3], $0x3E80, $0x38;
	[tilespmem:$0x17A00] =	vst v63  }
0x74: {  	_ =	swait.ge [sflag:s13], $0x3E80  }
0x75: {  	[sflag:s13] =	ssyncset.done $0x0  }
0x76: {  	s24 =	sadd.s32 $0x7D, s24;
	s23 =	sadd.s32 $0x1F40, s23;
	[sflag:s13] =	ssyncadd.s32 $0xFFFFC180  }
0x77: {  	s1 =	simm.s32 $0x0  }
0x78: {  	s22 =	simm.s32 $0x1;
	v2 =	vor.u32 s1, v1  }
0x79: {  	[tilespmem:s16], [sflag:$0x3] =	stream.linear.gather [hbm4b:s8+s3], $0x6400, $0x38;
	v3 =	vor.u32 s22, v1;
	[tilespmem:$0x17A00] =	vst v63  }
0x7a: {  	_ =	swait.ge [sflag:s13], $0x6400  }
0x7b: {  	[sflag:s13] =	ssyncset.done $0x0  }
0x7c: {  	[sflag:s13] =	ssyncadd.s32 $0xFFFF9C00  }
0x7d: {  	v2 =	vld.idx.msk [tilespmem:v2+s16+$0x0], $0xffff  }
0x7e: {  	v3 =	vld.idx.msk [tilespmem:v3+s16+$0x0], $0xffff;
	_ =	sdelay $0x1  }
0x7f: {  	s30 =	simm.s32 $0x20  }
0x80: {  	s31 =	simm.s32 $0x21;
	v4 =	vor.u32 s30, v1  }
0x81: {  	v5 =	vor.u32 s31, v1;
	v2 =	vmul.u32 $0xC8, v2  }
0x82: {  	v3 =	vadd.s32 v0, v3  }
0x83: {  	s22 =	simm.s32 $0xC800;
	v2 =	vadd.s32 v2, v3  }
0x84: {  	[tilespmem:s22+$0x0] =	vst v2  }
0x85: {  	v2 =	vld.idx.msk [tilespmem:v4+s16+$0x0], $0xffff  }
0x86: {  	v3 =	vld.idx.msk [tilespmem:v5+s16+$0x0], $0xffff;
	_ =	sdelay $0x1  }
0x87: {  	s23 =	simm.s32 $0x41;
	s25 =	simm.s32 $0x40;
	s24 =	simm.s32 $0x61  }
.LBB2_8:
0x88: {  	p0 =	sne.s32 s24, $0x63E1;
	v4 =	vor.u32 s25, v1  }
0x89: {  	v5 =	vor.u32 s23, v1;
	v2 =	vmul.u32 $0xC8, v2;
	s23 =	smov.u32 s24  }
0x8a: {  	v3 =	vadd.s32 v0, v3  }
0x8b: {  	s22 =	sadd.s32 $0x10, s22;
	v2 =	vadd.s32 v2, v3  }
0x8c: {  	[tilespmem:s22+$0x0] =	vst v2  }
.Ltmp3:
0x8d: {  	v2 =	vld.idx.msk [tilespmem:v4+s16+$0x0], $0xffff;
	(pc) =	sbr.rel @p0 .LBB2_8-.Ltmp3, $2  }
0x8e: {  	v3 =	vld.idx.msk [tilespmem:v5+s16+$0x0], $0xffff;
	_ =	sdelay $0x2  }
0x8f: {  	s24 =	sadd.s32 $0x20, s24;
	s25 =	sadd.s32 $0xFFFFFFFF, s23  }
0x90: {  	v4 =	vor.u32 s25, v1  }
0x91: {  	v5 =	vor.u32 s23, v1;
	v2 =	vmul.u32 $0xC8, v2  }
0x92: {  	v3 =	vadd.s32 v0, v3  }
0x93: {  	s1 =	sadd.s32 $0x10, s22;
	v2 =	vadd.s32 v2, v3  }
0x94: {  	[tilespmem:s1+$0x0] =	vst v2  }
0x95: {  	v2 =	vld.idx.msk [tilespmem:v4+s16+$0x0], $0xffff  }
0x96: {  	v3 =	vld.idx.msk [tilespmem:v5+s16+$0x0], $0xffff;
	_ =	sdelay $0x3  }
0x97: {  	v2 =	vmul.u32 $0xC8, v2  }
0x98: {  	v3 =	vadd.s32 v0, v3  }
0x99: {  	s1 =	sadd.s32 $0x10, s1;
	v2 =	vadd.s32 v2, v3  }
0x9a: {  	[tilespmem:s1+$0x0] =	vst v2  }
0x9b: {  	s22 =	simm.s32 $0xC800;
	[bflag:$0x0] =	sbarrier.arrive $0xFFFF  }
0x9c: {  	[tilespmem:s15], [sflag:$0x1] =	stream.indirect.gather [hbm4b:s2+s17], $0x80, s22, s17, $0xb8;
	[tilespmem:$0x17A00] =	vst v63  }
0x9d: {  	s29 =	simm.s32 $0xC880  }
0x9e: {  	[tilespmem:s18], [sflag:$0x1] =	stream.indirect.gather [hbm4b:s2+s17], $0x80, s29, s17, $0xb8;
	[tilespmem:$0x17A00] =	vst v63  }
0x9f: {  	_ =	swait.ge [sflag:s19], $0x4000  }
0xa0: {  	[sflag:s19] =	ssyncset.done $0x0  }
0xa1: {  	[sflag:s19] =	ssyncadd.s32 $0xFFFFC000  }
0xa2: {  	_ =	swait.ge [sflag:s19], $0x4000  }
0xa3: {  	[sflag:s19] =	ssyncset.done $0x0  }
0xa4: {  	s30 =	sadd.s32 $0x0, s11;
	[sflag:s19] =	ssyncadd.s32 $0xFFFFC000  }
0xa5: {  	[hbm4b:s30+s3] =	stream.linear.scatter [tilespmem:s15], [sflag:$0x2], $0x4000, $0x38;
	[tilespmem:$0x17A00] =	vst v63  }
0xa6: {  	s31 =	sadd.s32 $0x0, s12  }
0xa7: {  	[hbm4b:s31+s3] =	stream.linear.scatter [tilespmem:s18], [sflag:$0x2], $0x4000, $0x38;
	[tilespmem:$0x17A00] =	vst v63  }
0xa8: {  	_ =	swait.ge [sflag:s20], $0x4000  }
0xa9: {  	[sflag:s20] =	ssyncset.done $0x0  }
0xaa: {  	[sflag:s20] =	ssyncadd.s32 $0xFFFFC000  }
0xab: {  	_ =	swait.ge [sflag:s20], $0x4000  }
0xac: {  	s23 =	simm.s32 $0x1000;
	[sflag:s20] =	ssyncset.done $0x0  }
.LBB2_10:
0xad: {  	p0 =	sne.s32 s23, $0x31000;
	[sflag:s20] =	ssyncadd.s32 $0xFFFFC000;
	s22 =	sadd.s32 $0x100, s22  }
0xae: {  	[tilespmem:s15], [sflag:$0x1] =	stream.indirect.gather [hbm4b:s2+s17], $0x80, s22, s17, $0xb8;
	[tilespmem:$0x17A00] =	vst v63  }
0xaf: {  	s24 =	smov.u32 s23;
	s23 =	sadd.s32 $0x1000, s23;
	s1 =	sadd.s32 $0x80, s22  }
0xb0: {  	[tilespmem:s18], [sflag:$0x1] =	stream.indirect.gather [hbm4b:s2+s17], $0x80, s1, s17, $0xb8;
	[tilespmem:$0x17A00] =	vst v63  }
0xb1: {  	_ =	swait.ge [sflag:s19], $0x4000  }
0xb2: {  	[sflag:s19] =	ssyncset.done $0x0  }
0xb3: {  	[sflag:s19] =	ssyncadd.s32 $0xFFFFC000  }
0xb4: {  	_ =	swait.ge [sflag:s19], $0x4000  }
0xb5: {  	[sflag:s19] =	ssyncset.done $0x0  }
0xb6: {  	s1 =	sadd.s32 s24, s11;
	[sflag:s19] =	ssyncadd.s32 $0xFFFFC000  }
0xb7: {  	[hbm4b:s1+s3] =	stream.linear.scatter [tilespmem:s15], [sflag:$0x2], $0x4000, $0x38;
	[tilespmem:$0x17A00] =	vst v63  }
0xb8: {  	s1 =	sadd.s32 s24, s12  }
0xb9: {  	[hbm4b:s1+s3] =	stream.linear.scatter [tilespmem:s18], [sflag:$0x2], $0x4000, $0x38;
	[tilespmem:$0x17A00] =	vst v63  }
.Ltmp4:
0xba: {  	_ =	swait.ge [sflag:s20], $0x4000;
	(pc) =	sbr.rel @p0 .LBB2_10-.Ltmp4, $4  }
0xbb: {  	[sflag:s20] =	ssyncset.done $0x0  }
0xbc: {  	[sflag:s20] =	ssyncadd.s32 $0xFFFFC000  }
0xbd: {  	_ =	swait.ge [sflag:s20], $0x4000  }
0xbe: {  	[sflag:s20] =	ssyncset.done $0x0  }
0xbf: {  	s21 =	sadd.s32 $0x1, s21  }
0xc0: {  	p0 =	sne.s32 s21, s9  }
.Ltmp5:
0xc1: {  	_ = 	snop;
	(pc) =	sbr.rel @p0 .LBB2_1-.Ltmp5, $2  }
0xc2: {  	_ =	sdelay $0x2  }
0xc3: {  	[sflag:s20] =	ssyncadd.s32 $0xFFFFC000  }
0xc4: {  	_ =	sfence.sel $0x180000  }
0xc5: {  	[bflag:$0x0] =	sbarrier.arrive $0xFFFF  }
0xc6: {  	_ =	strace $0x90000047  }
0xc7: {  	[bflag:$0x2] =	sbarrier.arrive $0xFFFF  }
0xc8: {  	p0 =	sne.s32 s0, $0x0;
	s0 =	rddreg [dreg:$0x3]  }
0xc9: {  	s0 =	sadd.s32 @!p0 $0x100000, s0  }
0xca: {  	[sflag:s0] =	ssyncadd.tile.s32 @!p0 $0x1;
	_ =	shalt  }
.Lfunc_end2:
_tile_overlayer_lowered:
.L_overlay_start_2:
0xcb: {  	(tag) =	ssettag $0x2  }
0xcc: {  	s0 =	rddreg [dreg:$0x0];
	s2 =	stileid.u32  }
0xcd: {  	s1 =	rddreg [dreg:$0x1];
	p0 =	sne.s32 s2, $0x0  }
0xce: {  	s3 =	rddreg [dreg:$0x2];
	[bflag:$0x3] =	sbarrier.arrive $0xFFFF;
	s2 =	simm.s32 @!p0 $0x1C03  }
0xcf: {  	[timem:s3], [sflag:s2] =	dma.local @!p0 [hbm:s0], s1  }
0xd0: {  	s0 =	simm.s32 @!p0 $0x3  }
0xd1: {  	_ =	swait.ge @!p0 [sflag:s0], s1  }
0xd2: {  	s1 =	ssub.s32 @!p0 $0x0, s1;
	[sflag:s0] =	ssyncset.done @!p0 $0x0  }
0xd3: {  	[sflag:s0] =	ssyncadd.s32 @!p0 s1  }
0xd4: {  	[bflag:$0x3] =	sbarrier.arrive $0xFFFF  }
0xd5: {  	_ =	shalt  }

// kernel: sparse-core-data-format-call.cloned.1.call-start
scs
called_computation_lowered:
.L_overlay_start_0:
0x0: {  	s2 =	sld [smem:$0x3FD9]  }
0x1: {  	s3 =	sld [smem:$0x3FFE];
	_ =	sdelay $0x1  }
0x2: {  	s1 =	srdreg.scid  }
0x3: {  	s0 =	sand.u32 $0x1, s1  }
0x4: {  	s18 =	sshll.u32 s0, $0xA;
	s2 =	sadd.s32 s3, s2  }
0x5: {  	s2 =	sadd.s32 s2, s18  }
0x6: {  	[smem:$0x3FC5] =	sst s2  }
0x7: {  	_ = 	snop  }
0x8: {  	s2 =	sld [smem:$0x3FD0];
	(tm) =	ssettm $0x1  }
0x9: {  	s19 =	sld [smem:$0x3FFB];
	_ =	sdelay $0x3  }
0xa: {  	_ =	strace s19  }
0xb: {  	s3 =	sld [smem:$0x3FFC];
	_ =	sdelay $0x3  }
0xc: {  	_ =	strace s3  }
0xd: {  	s3 =	sld [smem:$0x3FFD];
	_ =	sdelay $0x3  }
0xe: {  	_ =	strace s3  }
0xf: {  	_ =	strace $0x8FFFFFFF  }
0x10: {  	s20 =	sld [smem:$0x3FDB];
	_ =	sdelay $0x1  }
0x11: {  	s4 =	simm.s32 $_scs_section_size  }
0x12: {  	s5 =	simm.s32 $_size__tile_overlayer_lowered;
	s6 =	simm.s32 $_tile_overlayer_lowered  }
0x13: {  	s23 =	simm.s32 $0x1BFF;
	s22 =	sshll.u32 s6, $0x1;
	s3 =	sadd.s32 s4, s20  }
0x14: {  	s7 =	simm.s32 $0x0;
	s21 =	sshll.u32 s5, $0x1;
	s5 =	sadd.s32 s22, s3  }
0x15: {  	[timem:s7], [sflag:s23] =	dma.local [hbm:s5], s21  }
0x16: {  	_ =	swait.ge [sflag:s23], s21  }
0x17: {  	s4 =	ssub.s32 $0x0, s21;
	[sflag:s23] =	ssyncset.done $0x0  }
0x18: {  	[sflag:s23] =	ssyncadd.s32 s4;
	_ =	sdelay $0x1  }
0x19: {  	s24 =	simm.s32 $0x1B8B  }
0x1a: {  	_ =	swait.ge [sflag:s24], $0x1  }
0x1b: {  	[sflag:s24] =	ssyncset.done $0x0  }
0x1c: {  	s26 =	simm.s32 $0x1B8E;
	s25 =	sld [smem:$0x3FFE];
	[sflag:s24] =	ssyncadd.s32 $0xFFFFFFFF  }
0x1d: {  	s27 =	simm.s32 $execute0_lowered;
	[smem:$0x3FD2] =	sst s26  }
0x1e: {  	s5 =	sshll.u32 s27, $0x1;
	_ =	strace $0x80000049;
	[dreg:$0x1] =	wrdreg $0xFFFFFFFF  }
0x1f: {  	s28 =	simm.s32 $_size_execute0_lowered;
	s3 =	sadd.s32 s3, s5;
	[dreg:$0x0] =	wrdreg $0x0  }
0x20: {  	s5 =	sshll.u32 s28, $0x1;
	[dreg:$0x2] =	wrdreg s3  }
0x21: {  	[dreg:$0x3] =	wrdreg s5  }
0x22: {  	[dreg:$0x4] =	wrdreg $0xC0  }
0x23: {  	_ =	task [dreg:s7], $0x5FFFF  }
0x24: {  	[dreg:$0x1] =	wrdreg $0xFFFFFFFF  }
0x25: {  	[dreg:$0x0] =	wrdreg $0x60  }
0x26: {  	[dreg:$0x2] =	wrdreg s25  }
0x27: {  	[dreg:$0x3] =	wrdreg s2  }
0x28: {  	[dreg:$0x4] =	wrdreg $0x9  }
0x29: {  	_ =	task.clear_ibuf [dreg:s7], $0x5FFFF;
	_ =	strace $0x90000049  }
0x2a: {  	s29 =	simm.s32 $0x9;
	_ =	strace $0x8000004B  }
0x2b: {  	_ =	swait.ge [sflag:s29], $0x1  }
0x2c: {  	[sflag:s29] =	ssyncadd.s32 $0xFFFFFFFF  }
0x2d: {  	_ =	strace $0x9000004B  }
0x2e: {  	_ =	sfence  }
0x2f: {  	s30 =	sld [smem:$0x0];
	_ =	sdelay $0x2  }
0x30: {  	s31 =	sshll.u32 s1, $0xD;
	s1 =	sshrl.u32 s1, $0x2  }
0x31: {  	s3 =	sand.u32 $0x4000, s31;
	s1 =	sadd.s32 s1, s30  }
0x32: {  	s0 =	sor.u32 s3, s0;
	s1 =	sshll.u32 s1, $0x11  }
0x33: {  	s0 =	sor.u32 s1, s0  }
0x34: {  	s0 =	sadd.s32 $0x8F2B, s0  }
0x35: {  	[sflag:s0] =	ssyncadd.remote.s32 $0x1  }
0x36: {  	_ =	sfence.sel $0xFFFF  }
0x37: {  	[dreg:$0x0] =	wrdreg $0xFFFFFFFF;
	(pc) =	sbr.abs _section_cstart, $3  }
0x38: {  	[dreg:$0x1] =	wrdreg $0xFFFFFFFF  }
0x39: {  	_ =	task.clear_ibuf [dreg:s7], $0x2FFFF;
	_ =	strace $0x9FFFFFFF  }
0x3a: {  	(tm) =	ssettm $0x7FFFFFFF  }
0x3b: {  	_ =	shalt  }
tec
execute0_lowered:
.L_overlay_start_1:
0x0: {  	(tag) =	ssettag $0x1  }
0x1: {  	s0 =	srdreg.scid  }
0x2: {  	s1 =	sshll.u32 s0, $0x4  }
0x3: {  	s0 =	stileid.u32;
	s1 =	sand.u32 $0x10, s1  }
0x4: {  	s1 =	sor.u32 s0, s1  }
0x5: {  	s6 =	rddreg [dreg:$0x0];
	s4 =	simm.s32 $0x1;
	s2 =	sshll.u32 s1, $0x7  }
0x6: {  	s7 =	simm.s32 $0x2;
	s12 =	simm.s32 $0x0;
	s1 =	ssub.s32 $0x1000, s2  }
0x7: {  	s8 =	simm.s32 $0x8000;
	s13 =	simm.s32 $0x0;
	s3 =	sand.u32 $0xF80, s1  }
0x8: {  	s9 =	simm.s32 $0x0;
	s5 =	sshrl.u32 s1, $0xC;
	p0 =	sne.s32 s3, $0x0  }
.Ltmp0:
0x9: {  	s1 =	rddreg [dreg:$0x2];
	s4 =	simm.s32 @!p0 $0x0;
	(pc) =	sbr.rel .LBB1_1-.Ltmp0, $4  }
0xa: {  	s11 =	simm.s32 $0x0;
	s3 =	rddreg [dreg:$0x1];
	s5 =	sadd.s32 s4, s5  }
0xb: {  	_ =	strace $0x8000004A;
	s4 =	simm.s32 $0x1;
	s5 =	smul.u32 $0xC8, s5  }
0xc: {  	s6 =	sadd.s32 $0x800, s6;
	s10 =	smov.u32 s2;
	[sflag:s4] =	ssyncpa.u1 $0x0  }
0xd: {  	p0 =	por $0x0, $0x0;
	[sflag:s7] =	ssyncpa.u1 $0x0;
	s7 =	sor.u32 $0x1, s5  }
.LBB1_4:
0xe: {  	s16 =	sshll.u32 s13, $0x3;
	s17 =	sand.u32 $0x78, s13  }
0xf: {  	s30 =	sand.u32 $0x7E00, s13;
	s12 =	sshll.u32 s12, $0xF;
	s16 =	sand.u32 $0xC00, s16  }
0x10: {  	[tilespmem:s15+$0x810 ss:$0x81] =	vst.msk $0xffff, v2;
	s31 =	sand.u32 $0x7, s13;
	s16 =	sor.u32 s17, s16;
	s17 =	sadd.s32 s3, s30  }
0x11: {  	[tilespmem:s15+$0x1020 ss:$0x81] =	vst.msk $0xffff, v0;
	s13 =	sshll.u32 s31, $0x12;
	s12 =	sadd.s32 s12, s17;
	s16 =	sshrl.u32 s16, $0x3  }
0x12: {  	[tilespmem:s15+$0x0 ss:$0x81] =	vst.msk $0xffff, v1;
	s13 =	sor.u32 $0x400, s13;
	s12 =	sadd.s32 s16, s12  }
0x13: {  	[hbm4b:s12+s13] =	stream.strided.scatter [tilespmem:s14], [sflag:$0x2], $0x2000, s8, s13, $0x20;
	[tilespmem:$0x8080] =	vst v63  }
.LBB1_5:
0x14: {  	s14 =	sadd.s32 $0x1, s9  }
0x15: {  	s12 =	sadd.s32 $0x1000, s10;
	s16 =	smov.u32 s10;
	p2 =	sgt.s32 s14, $0xC7  }
0x16: {  	s16 =	smov.u32 @p2 s12  }
0x17: {  	s14 =	simm.s32 @p2 $0x0;
	p2 =	sgt.s32 s16, $0xFFF  }
0x18: {  	s16 =	smov.u32 @p2 s2;
	p2 =	sne.s32 s11, s7  }
.Ltmp1:
0x19: {  	p1 =	slt.u32 s11, $0x2;
	(pc) =	sbr.rel @!p2 .LBB1_6-.Ltmp1, $4  }
0x1a: {  	s15 =	simm.s32 @!p1 $0x2  }
0x1b: {  	s13 =	smov.u32 s10;
	p0 =	por !p0, !p0;
	_ =	swait.ge @!p1 [sflag:s15], $0x2000  }
0x1c: {  	s12 =	smov.u32 s9;
	[sflag:s15] =	ssyncset.done @!p1 $0x0;
	s9 =	smov.u32 s14  }
0x1d: {  	s11 =	sadd.s32 $0x1, s11;
	[sflag:s15] =	ssyncadd.s32 @!p1 $0xFFFFE000;
	s10 =	smov.u32 s16  }
.LBB1_1:
0x1e: {  	p1 =	sge.u32 s11, s5  }
0x1f: {  	s14 =	sand.u32 @!p1 $0x1FFFFFF, s9  }
0x20: {  	s15 =	smulhi.u32 @!p1 $0x147AE15, s14;
	_ =	sdelay $0x1  }
0x21: {  	s15 =	smul.u32 @!p1 $0xC8, s15  }
0x22: {  	s16 =	sxor.u32 @!p1 $0xFFFFFFFF, s11;
	s17 =	smul.u32 @!p1 $0xC80, s10  }
0x23: {  	s31 =	sadd.s32 $0xFFFFFFFF, s11;
	s16 =	sshll.u32 @!p1 s16, $0xD;
	s14 =	ssub.s32 @!p1 s14, s15  }
0x24: {  	s15 =	sand.u32 @!p1 $0x2000, s16;
	s16 =	sadd.s32 @!p1 s6, s17;
	s14 =	sshll.u32 @!p1 s14, $0x4  }
0x25: {  	s17 =	simm.s32 @!p1 $0x6400;
	s14 =	sadd.s32 @!p1 s14, s16;
	s16 =	simm.s32 @!p1 $0x40  }
0x26: {  	[tilespmem:s15], [sflag:$0x1] =	stream.strided.gather @!p1 [hbm4b:s14+s16], $0x2000, s17, s16, $0x38;
	[tilespmem:$0x8080] =	vst v63  }
0x27: {  	p1 =	sge.u32 s31, s5  }
.Ltmp2:
0x28: {  	_ = 	snop;
	(pc) =	sbr.rel @p1 .LBB1_5-.Ltmp2, $1  }
0x29: {  	_ =	sdelay $0x3  }
0x2a: {  	s14 =	simm.s32 $0x1  }
0x2b: {  	_ =	swait.ge [sflag:s4], $0x2000;
	s14 =	simm.s32 @!p0 $0x0  }
0x2c: {  	[sflag:s4] =	ssyncset.done $0x0;
	s15 =	sshll.u32 s14, $0xD  }
0x2d: {  	[sflag:s4] =	ssyncadd.s32 $0xFFFFE000;
	s18 =	sor.u32 $0x20, s15  }
0x2e: {  	s14 =	smul.u32 $0x8100, s14;
	v3 =	vld [tilespmem:s18+$0x10]  }
0x2f: {  	s30 =	sand.u32 $0x1, s11;
	v2 =	vld [tilespmem:s18+$0xFFFFFFF0]  }
0x30: {  	s15 =	smul.u32 $0x8100, s30;
	s14 =	sshrl.u32 s14, $0x2;
	v0 =	vld [tilespmem:s18+$0x0]  }
0x31: {  	v1 =	vld [tilespmem:s18+$0xFFFFFFE0];
	s16 =	sor.u32 $0x4000, s14  }
0x32: {  	s31 =	sshrl.u32 s15, $0x2;
	s15 =	sadd.s32 $0x0, s16  }
0x33: {  	s17 =	simm.s32 $0x4;
	s18 =	sadd.s32 $0x40, s18;
	s14 =	sor.u32 $0x4000, s31;
	[tilespmem:s15+$0x1830 ss:$0x81] =	vst.msk $0xffff, v3  }
.LBB1_3:
0x34: {  	v3 =	vld [tilespmem:s18+$0x10];
	p1 =	sne.s32 s17, $0x1FC;
	[tilespmem:s15+$0x810 ss:$0x81] =	vst.msk $0xffff, v2;
	s19 =	smov.u32 s17;
	s17 =	sadd.s32 $0x4, s17  }
.Ltmp3:
0x35: {  	v2 =	vld [tilespmem:s18+$0xFFFFFFF0];
	[tilespmem:s15+$0x1020 ss:$0x81] =	vst.msk $0xffff, v0;
	(pc) =	sbr.rel @p1 .LBB1_3-.Ltmp3, $4  }
0x36: {  	v0 =	vld [tilespmem:s18+$0x0];
	[tilespmem:s15+$0x0 ss:$0x81] =	vst.msk $0xffff, v1  }
0x37: {  	s15 =	sshra.s32 s19, $0x2;
	v1 =	vld [tilespmem:s18+$0xFFFFFFE0]  }
0x38: {  	s15 =	sadd.s32 s15, s16  }
0x39: {  	s18 =	sadd.s32 $0x40, s18;
	[tilespmem:s15+$0x1830 ss:$0x81] =	vst.msk $0xffff, v3  }
.Ltmp4:
0x3a: {  	_ = 	snop;
	(pc) =	sbr.rel .LBB1_4-.Ltmp4, $1  }
0x3b: {  	_ =	sdelay $0x3  }
.LBB1_6:
0x3c: {  	_ =	sfence.sel $0x180000  }
0x3d: {  	s2 =	simm.s32 $0x1;
	[bflag:$0x0] =	sbarrier.arrive $0xFFFF  }
0x3e: {  	s31 =	simm.s32 $0x2;
	[sflag:s2] =	ssyncpa.u1 $0x1  }
0x3f: {  	[sflag:s31] =	ssyncpa.u1 $0x1  }
0x40: {  	p0 =	sne.s32 s0, $0x0;
	_ =	strace $0x9000004A  }
0x41: {  	s0 =	sadd.s32 @!p0 $0x100000, s1;
	[bflag:$0x2] =	sbarrier.arrive $0xFFFF  }
0x42: {  	[sflag:s0] =	ssyncadd.tile.s32 @!p0 $0x1;
	_ =	shalt  }
.Lfunc_end1:
_tile_overlayer_lowered:
.L_overlay_start_2:
0x43: {  	(tag) =	ssettag $0x2  }
0x44: {  	s0 =	rddreg [dreg:$0x0];
	s2 =	stileid.u32  }
0x45: {  	s1 =	rddreg [dreg:$0x1];
	p0 =	sne.s32 s2, $0x0  }
0x46: {  	s3 =	rddreg [dreg:$0x2];
	[bflag:$0x3] =	sbarrier.arrive $0xFFFF;
	s2 =	simm.s32 @!p0 $0x1C01  }
0x47: {  	[timem:s3], [sflag:s2] =	dma.local @!p0 [hbm:s0], s1  }
0x48: {  	s0 =	simm.s32 @!p0 $0x1  }
0x49: {  	_ =	swait.ge @!p0 [sflag:s0], s1  }
0x4a: {  	s1 =	ssub.s32 @!p0 $0x0, s1;
	[sflag:s0] =	ssyncset.done @!p0 $0x0  }
0x4b: {  	[sflag:s0] =	ssyncadd.s32 @!p0 s1  }
0x4c: {  	[bflag:$0x3] =	sbarrier.arrive $0xFFFF  }
0x4d: {  	_ =	shalt  }

</sc_bundles>
